<compile_context>
chip_gen: v7x
topology: tpu7x:2x2x1
jax: 0.10.2.dev20260603
libtpu: 0.0.44.dev20260713+nightly
codegen_flags: <defaults>
</compile_context>

<pallas_src>
import functools

import jax
import jax.numpy as jnp
from jax.experimental import pallas as pl

_EPS = 1e-5



def _mm_body(*refs, has_res, want_stats, prologue, epilogue):
    a_ref, w_ref, vk_ref, vn_ref = refs[:4]
    pos = 4
    res_ref = None
    if has_res:
        res_ref = refs[pos]
        pos += 1
    out_ref = refs[pos]
    pos += 1
    st_ref = refs[pos] if want_stats else None

    a = a_ref[...]
    if prologue in ("affine", "affine_relu"):
        a = a * vk_ref[0:1, :] + vk_ref[1:2, :]
    elif prologue in ("norm", "norm_relu"):
        a = (a - vk_ref[0:1, :]) / vk_ref[1:2, :] * vk_ref[2:3, :] + vk_ref[3:4, :]
    if prologue in ("affine_relu", "norm_relu"):
        a = jnp.maximum(a, 0.0)
    y = jnp.dot(a.astype(jnp.bfloat16), w_ref[...],
                preferred_element_type=jnp.float32)
    y = y + vn_ref[0:1, :]
    if has_res:
        y = res_ref[...] + y
    if epilogue == "relu":
        y = jnp.maximum(y, 0.0)
    elif epilogue == "tanh":
        y = jnp.tanh(y)
    out_ref[...] = y
    if want_stats:
        @pl.when(pl.program_id(0) == 0)
        def _():
            st_ref[...] = jnp.zeros(st_ref.shape, st_ref.dtype)
        st_ref[0:1, :] += jnp.sum(y, axis=0, keepdims=True)
        st_ref[1:2, :] += jnp.sum(y * y, axis=0, keepdims=True)


def _mm(A, Wbf, bias, scale=None, shift=None, norm=None, res=None,
        prologue="none", epilogue="none", want_stats=False, mb=784):
    M, K = A.shape
    N = Wbf.shape[1]
    vk = jnp.ones((8, K), jnp.float32)
    if scale is not None:
        vk = vk.at[0, :].set(scale).at[1, :].set(shift)
    if norm is not None:
        vk = vk.at[0, :].set(norm[0]).at[1, :].set(norm[1]) \
               .at[2, :].set(norm[2]).at[3, :].set(norm[3])
    vn = jnp.zeros((8, N), jnp.float32).at[0, :].set(bias)
    inputs = [A, Wbf, vk, vn]
    in_specs = [
        pl.BlockSpec((mb, K), lambda i: (i, 0)),
        pl.BlockSpec((K, N), lambda i: (0, 0)),
        pl.BlockSpec((8, K), lambda i: (0, 0)),
        pl.BlockSpec((8, N), lambda i: (0, 0)),
    ]
    if res is not None:
        inputs.append(res)
        in_specs.append(pl.BlockSpec((mb, N), lambda i: (i, 0)))
    out_shape = [jax.ShapeDtypeStruct((M, N), jnp.float32)]
    out_specs = [pl.BlockSpec((mb, N), lambda i: (i, 0))]
    if want_stats:
        out_shape.append(jax.ShapeDtypeStruct((8, N), jnp.float32))
        out_specs.append(pl.BlockSpec((8, N), lambda i: (0, 0)))
    body = functools.partial(_mm_body, has_res=res is not None,
                             want_stats=want_stats, prologue=prologue,
                             epilogue=epilogue)
    out = pl.pallas_call(
        body, grid=(M // mb,), in_specs=in_specs, out_specs=out_specs,
        out_shape=out_shape)(*inputs)
    return out if want_stats else (out[0], None)



def _vq_body(z_ref, ebt_ref, e32_ref, q_ref, est_ref, st_ref):
    zb = z_ref[...]
    A = jnp.sum(zb * zb, axis=1, keepdims=True)
    S = jnp.dot(zb.astype(jnp.bfloat16), ebt_ref[...],
                preferred_element_type=jnp.float32)
    e32 = e32_ref[...]
    C = jnp.sum(e32 * e32, axis=1)
    d = (A - 2.0 * S) + C[None, :]
    m = jnp.min(d, axis=1, keepdims=True)
    iota = jax.lax.broadcasted_iota(jnp.int32, d.shape, 1)
    idx = jnp.min(jnp.where(d == m, iota, jnp.int32(1 << 30)), axis=1,
                  keepdims=True)
    oh = (iota == idx).astype(jnp.float32)
    q = jnp.dot(oh, e32, preferred_element_type=jnp.float32,
                precision=jax.lax.Precision.HIGHEST)
    est = (q - zb) + zb
    q_ref[...] = q
    est_ref[...] = est
    @pl.when(pl.program_id(0) == 0)
    def _():
        st_ref[...] = jnp.zeros(st_ref.shape, st_ref.dtype)
    st_ref[0:1, :] += jnp.sum(est, axis=0, keepdims=True)
    st_ref[1:2, :] += jnp.sum(est * est, axis=0, keepdims=True)


def _vq(z_flat, E, mb=784):
    M, Cdim = z_flat.shape
    ncode = E.shape[0]
    ebt = E.T.astype(jnp.bfloat16)
    out = pl.pallas_call(
        _vq_body,
        grid=(M // mb,),
        in_specs=[
            pl.BlockSpec((mb, Cdim), lambda i: (i, 0)),
            pl.BlockSpec((Cdim, ncode), lambda i: (0, 0)),
            pl.BlockSpec((ncode, Cdim), lambda i: (0, 0)),
        ],
        out_specs=[
            pl.BlockSpec((mb, Cdim), lambda i: (i, 0)),
            pl.BlockSpec((mb, Cdim), lambda i: (i, 0)),
            pl.BlockSpec((8, Cdim), lambda i: (0, 0)),
        ],
        out_shape=[
            jax.ShapeDtypeStruct((M, Cdim), jnp.float32),
            jax.ShapeDtypeStruct((M, Cdim), jnp.float32),
            jax.ShapeDtypeStruct((8, Cdim), jnp.float32),
        ])(z_flat, ebt, E)
    return out



def _bn_affine(st, mtot, g, b):
    s, s2 = st[0], st[1]
    m = s / mtot
    v = s2 / mtot - m * m
    scale = g / jnp.sqrt(v + _EPS)
    shift = b - m * scale
    return scale, shift


def _tile(vec, rep):
    return jnp.tile(vec, (rep,))


def _pad1(y4, padvec=None):
    if padvec is None:
        return jnp.pad(y4, ((0, 0), (1, 1), (1, 1), (0, 0)))
    n, H, W, C = y4.shape
    full = jnp.broadcast_to(padvec, (n, H + 2, W + 2, C))
    return full.at[:, 1:-1, 1:-1, :].set(y4)


def _im2col3x3(p, H):
    cols = [p[:, dy:dy + H, dx:dx + H, :] for dy in range(3) for dx in range(3)]
    Cc = p.shape[-1]
    return jnp.concatenate(cols, -1).reshape(4 * H * H, 9 * Cc)


def _w3x3(W):
    return jnp.transpose(W, (2, 3, 1, 0)).reshape(-1, W.shape[0])


def _im2col_s2(p, Hout):
    Hin = p.shape[1] - 2
    cols = [p[:, kh:kh + Hin:2, kw:kw + Hin:2, :]
            for kh in range(4) for kw in range(4)]
    Cc = p.shape[-1]
    return jnp.concatenate(cols, -1).reshape(4 * Hout * Hout, 16 * Cc)


def _w_s2(W):
    return jnp.transpose(W, (2, 3, 1, 0)).reshape(-1, W.shape[0])


_PHASE_TAPS = {0: [(0, 1), (-1, 3)], 1: [(1, 0), (0, 2)]}


def _bn_stats_ref(flat, H):
    x4 = jnp.transpose(flat.reshape(4, H, H, 256), (0, 3, 1, 2))
    m = jnp.mean(x4, axis=(0, 2, 3))
    v = jnp.var(x4, axis=(0, 2, 3))
    return m, jnp.sqrt(v + _EPS)


def _tile4(vecs, rep):
    return tuple(jnp.tile(t, (rep,)) for t in vecs)


def _resblock_enc(x_flat, p):
    m1, s1 = _bn_stats_ref(x_flat, 56)
    g1, b1 = p['bn1_g'], p['bn1_b']
    padv = m1 - b1 * s1 / g1
    A = _im2col3x3(_pad1(x_flat.reshape(4, 56, 56, 256), padv), 56)
    y, _ = _mm(A, _w3x3(p['c1_W']).astype(jnp.bfloat16), p['c1_b'],
               norm=_tile4((m1, s1, g1, b1), 9), prologue="norm_relu")
    m2, s2 = _bn_stats_ref(y, 56)
    out, _ = _mm(y, jnp.transpose(p['c2_W'][:, :, 0, 0]).astype(jnp.bfloat16),
                 p['c2_b'], norm=(m2, s2, p['bn2_g'], p['bn2_b']),
                 res=x_flat, prologue="norm_relu")
    return out


def _resblock_pallas(x_flat, x4, p, H, in_stats, in_g, in_b,
                     out_relu=False):
    mtot = x_flat.shape[0]
    s1, t1 = _bn_affine(in_stats, mtot, in_g, in_b)
    A = _im2col3x3(_pad1(x4, -t1 / s1), H)
    y, st2 = _mm(A, _w3x3(p['c1_W']).astype(jnp.bfloat16), p['c1_b'],
                 scale=_tile(s1, 9), shift=_tile(t1, 9),
                 prologue="affine_relu", want_stats=True)
    s2_, t2_ = _bn_affine(st2, mtot, p['bn2_g'], p['bn2_b'])
    out, st_out = _mm(y, jnp.transpose(p['c2_W'][:, :, 0, 0]).astype(jnp.bfloat16),
                      p['c2_b'], scale=s2_, shift=t2_, res=x_flat,
                      prologue="affine_relu",
                      epilogue="relu" if out_relu else "none",
                      want_stats=True)
    return out, st_out


def kernel(x, params):
    p = params
    xn = jnp.transpose(x, (0, 2, 3, 1))

    A1 = _im2col_s2(_pad1(xn), 112)
    y1, _ = _mm(A1, _w_s2(p['ec1_W']).astype(jnp.bfloat16), p['ec1_b'],
                epilogue="relu", mb=3136)
    me, sqe = _bn_stats_ref(y1, 112)
    ge, be = p['ebn1_g'], p['ebn1_b']
    padv = me - be * sqe / ge
    A2 = _im2col_s2(_pad1(y1.reshape(4, 112, 112, 256), padv), 56)
    z0, _ = _mm(A2, _w_s2(p['ec2_W']).astype(jnp.bfloat16), p['ec2_b'],
                norm=_tile4((me, sqe, ge, be), 16), prologue="norm")

    x1 = _resblock_enc(z0, p['erb1'])
    z_flat = _resblock_enc(x1, p['erb2'])

    q_flat, est_flat, st_d1 = _vq(z_flat, p['codebook'])

    h1, st_d2 = _resblock_pallas(est_flat, est_flat.reshape(4, 56, 56, 256),
                                 p['drb1'], 56, st_d1, p['drb1']['bn1_g'],
                                 p['drb1']['bn1_b'])
    r2, st_bn1 = _resblock_pallas(h1, h1.reshape(4, 56, 56, 256), p['drb2'],
                                  56, st_d2, p['drb2']['bn1_g'],
                                  p['drb2']['bn1_b'], out_relu=True)

    sd1, td1 = _bn_affine(st_bn1, 12544.0, p['dbn1_g'], p['dbn1_b'])
    r2p = _pad1(r2.reshape(4, 56, 56, 256), -td1 / sd1)
    W1 = p['dt1_W']
    phase_outs = []
    phase_stats = []
    for py in (0, 1):
        for px in (0, 1):
            ytaps = _PHASE_TAPS[py]
            xtaps = _PHASE_TAPS[px]
            cols = [r2p[:, 1 + dy:1 + dy + 56, 1 + dx:1 + dx + 56, :]
                    for (dy, _) in ytaps for (dx, _) in xtaps]
            Aph = jnp.concatenate(cols, -1).reshape(12544, 1024)
            Wph = jnp.concatenate(
                [W1[:, :, ky, kx] for (_, ky) in ytaps for (_, kx) in xtaps],
                axis=0).astype(jnp.bfloat16)
            o, st = _mm(Aph, Wph, p['dt1_b'], scale=_tile(sd1, 4),
                        shift=_tile(td1, 4), prologue="affine",
                        epilogue="relu", want_stats=True, mb=1568)
            phase_outs.append(o.reshape(4, 56, 56, 256))
            phase_stats.append(st)
    st_bn2 = phase_stats[0] + phase_stats[1] + phase_stats[2] + phase_stats[3]
    h2 = jnp.transpose(
        jnp.stack(phase_outs, 0).reshape(2, 2, 4, 56, 56, 256),
        (2, 3, 0, 4, 1, 5)).reshape(4, 112, 112, 256)

    sd2, td2 = _bn_affine(st_bn2, 50176.0, p['dbn2_g'], p['dbn2_b'])
    A4 = _im2col3x3(_pad1(h2, -td2 / sd2), 112)
    W2 = p['dt2_W']
    blocks = []
    for dy in (-1, 0, 1):
        for dx in (-1, 0, 1):
            row = []
            for py in (0, 1):
                kys = dict(_PHASE_TAPS[py])
                for px in (0, 1):
                    kxs = dict(_PHASE_TAPS[px])
                    if dy in kys and dx in kxs:
                        row.append(W2[:, :, kys[dy], kxs[dx]])
                    else:
                        row.append(jnp.zeros((256, 3), jnp.float32))
            blocks.append(jnp.concatenate(row, axis=1))
    Wd2 = jnp.concatenate(blocks, axis=0).astype(jnp.bfloat16)
    bias12 = jnp.tile(p['dt2_b'], (4,))
    o4, _ = _mm(A4, Wd2, bias12, scale=_tile(sd2, 9), shift=_tile(td2, 9),
                prologue="affine", epilogue="tanh", mb=1568)
    x_dec = jnp.transpose(
        o4.reshape(4, 112, 112, 2, 2, 3),
        (0, 1, 3, 2, 4, 5)).reshape(4, 224, 224, 3)

    z_out = jnp.transpose(z_flat.reshape(4, 56, 56, 256), (0, 3, 1, 2))
    q_out = jnp.transpose(q_flat.reshape(4, 56, 56, 256), (0, 3, 1, 2))
    xd_out = jnp.transpose(x_dec, (0, 3, 1, 2))
    return (z_out, q_out, xd_out)

# --- scband reference (transcript-rebuilt; emitter-appended) ---
"""Pipeline reference for scband-vqvae-28930899706227 (READ-ONLY COPY).

The authoritative reference and input builder live on the scoring server;
editing this copy changes nothing except your own understanding.
"""

import jax, jax.numpy as jnp
import numpy as np


def _conv(x, W, b, stride, pad):
    y = jax.lax.conv_general_dilated(x, W, window_strides=(stride, stride), padding=((pad, pad), (pad, pad)), dimension_numbers=('NCHW', 'OIHW', 'NCHW'))
    return y + b[None, :, None, None]


def _deconv(x, W, b):
    # PyTorch ConvTranspose2d(k=4, s=2, p=1); weight is [in, out, kH, kW]
    Wt = jnp.transpose(jnp.flip(W, (2, 3)), (1, 0, 2, 3))
    y = jax.lax.conv_general_dilated(x, Wt, window_strides=(1, 1), padding=((2, 2), (2, 2)), lhs_dilation=(2, 2), dimension_numbers=('NCHW', 'OIHW', 'NCHW'))
    return y + b[None, :, None, None]


def _bn(x, g, b, eps=1e-5):
    m = jnp.mean(x, axis=(0, 2, 3), keepdims=True)
    v = jnp.var(x, axis=(0, 2, 3), keepdims=True)
    return (x - m) / jnp.sqrt(v + eps) * g[None, :, None, None] + b[None, :, None, None]


def _resblock(x, p):
    h = _bn(x, p['bn1_g'], p['bn1_b'])
    h = jax.nn.relu(h)
    h = _conv(h, p['c1_W'], p['c1_b'], 1, 1)
    h = _bn(h, p['bn2_g'], p['bn2_b'])
    h = jax.nn.relu(h)
    h = _conv(h, p['c2_W'], p['c2_b'], 1, 0)
    return x + h


def _forward(x, params):
    p = params
    h = _conv(x, p['ec1_W'], p['ec1_b'], 2, 1)
    h = jax.nn.relu(h)
    h = _bn(h, p['ebn1_g'], p['ebn1_b'])
    z = _conv(h, p['ec2_W'], p['ec2_b'], 2, 1)
    z = _resblock(z, p['erb1'])
    z = _resblock(z, p['erb2'])
    n, c, hh, ww = z.shape
    E = p['codebook']
    z_ = jax.lax.stop_gradient(jnp.transpose(z, (0, 2, 3, 1)).reshape(-1, c))
    d = jnp.sum(z_ ** 2, axis=1, keepdims=True) - 2.0 * (z_ @ E.T) + jnp.sum(E ** 2, axis=1)[None, :]
    idx = jnp.argmin(d, axis=1).reshape(n, hh, ww)
    q = jnp.transpose(E[idx], (0, 3, 1, 2))
    e_st = jax.lax.stop_gradient(q - z) + z
    h = _resblock(e_st, p['drb1'])
    h = _resblock(h, p['drb2'])
    h = jax.nn.relu(h)
    h = _bn(h, p['dbn1_g'], p['dbn1_b'])
    h = _deconv(h, p['dt1_W'], p['dt1_b'])
    h = jax.nn.relu(h)
    h = _bn(h, p['dbn2_g'], p['dbn2_b'])
    h = _deconv(h, p['dt2_W'], p['dt2_b'])
    x_dec = jnp.tanh(h)
    return (z, q, x_dec)


def setup_inputs(seed: int = 0) -> dict:
    key = jax.random.key(seed)
    ks = iter(jax.random.split(key, 64))

    def nrm(shape, s=0.02):
        return (jax.random.normal(next(ks), shape) * s).astype(jnp.float32)

    def rb(dim):
        return {'bn1_g': jnp.ones((dim,), jnp.float32), 'bn1_b': jnp.zeros((dim,), jnp.float32),
                'c1_W': nrm((dim, dim, 3, 3)), 'c1_b': jnp.zeros((dim,), jnp.float32),
                'bn2_g': jnp.ones((dim,), jnp.float32), 'bn2_b': jnp.zeros((dim,), jnp.float32),
                'c2_W': nrm((dim, dim, 1, 1)), 'c2_b': jnp.zeros((dim,), jnp.float32)}

    params = {
        'ec1_W': nrm((256, 3, 4, 4)), 'ec1_b': jnp.zeros((256,), jnp.float32),
        'ebn1_g': jnp.ones((256,), jnp.float32), 'ebn1_b': jnp.zeros((256,), jnp.float32),
        'ec2_W': nrm((256, 256, 4, 4)), 'ec2_b': jnp.zeros((256,), jnp.float32),
        'erb1': rb(256), 'erb2': rb(256),
        'drb1': rb(256), 'drb2': rb(256),
        'dbn1_g': jnp.ones((256,), jnp.float32), 'dbn1_b': jnp.zeros((256,), jnp.float32),
        'dt1_W': nrm((256, 256, 4, 4)), 'dt1_b': jnp.zeros((256,), jnp.float32),
        'dbn2_g': jnp.ones((256,), jnp.float32), 'dbn2_b': jnp.zeros((256,), jnp.float32),
        'dt2_W': nrm((256, 3, 4, 4)), 'dt2_b': jnp.zeros((3,), jnp.float32),
        'codebook': jax.random.uniform(next(ks), (1024, 256), jnp.float32, -1.0 / 1024, 1.0 / 1024),
    }
    x = jax.random.uniform(next(ks), (4, 3, 224, 224), dtype=jnp.float32)
    return {'x': x, 'params': params}


def reference(x, params):
    return _forward(x, params)

if __name__ == "__main__":
    import jax
    _d = setup_inputs()
    print(jax.jit(kernel)(*tuple(_d.values())))

</pallas_src>

<mosaic_0001>
module attributes {stable_mosaic.version = 14 : i64} {
  func.func @_mm_body(%arg0: i32, %arg1: memref<3136x48xf32, #tpu.memory_space<vmem>>, %arg2: memref<48x256xbf16, #tpu.memory_space<vmem>>, %arg3: memref<8x48xf32, #tpu.memory_space<vmem>>, %arg4: memref<8x256xf32, #tpu.memory_space<vmem>>, %arg5: memref<3136x256xf32, #tpu.memory_space<vmem>>) attributes {dimension_semantics = [#tpu.dimension_semantics<arbitrary>], iteration_bounds = array<i64: 16>, scalar_prefetch = 0 : i64, scratch_operands = 0 : i64, tpu.core_type = #tpu.core_type<tc>, window_params = [{transform_indices = @transform_0, window_bounds = array<i64: 3136, 48>}, {pipeline_mode = #tpu.pipeline_mode<synchronous>, transform_indices = @transform_1, window_bounds = array<i64: 48, 256>}, {pipeline_mode = #tpu.pipeline_mode<synchronous>, transform_indices = @transform_2, window_bounds = array<i64: 8, 48>}, {pipeline_mode = #tpu.pipeline_mode<synchronous>, transform_indices = @transform_3, window_bounds = array<i64: 8, 256>}, {transform_indices = @transform_4, window_bounds = array<i64: 3136, 256>}]} {
    %get3A = arith.constant 0 : index
    %get3A_0 = arith.constant 0 : index
    %get3A_1 = vector.load %arg1[%get3A, %get3A_0] : memref<3136x48xf32, #tpu.memory_space<vmem>>, vector<3136x48xf32>
    %convert_element_type3A = arith.truncf %get3A_1 : vector<3136x48xf32> to vector<3136x48xbf16>
    %get3A_2 = arith.constant 0 : index
    %get3A_3 = arith.constant 0 : index
    %get3A_4 = vector.load %arg2[%get3A_2, %get3A_3] : memref<48x256xbf16, #tpu.memory_space<vmem>>, vector<48x256xbf16>
    %dot_general3A = arith.constant dense<0.000000e+00> : vector<3136x256xf32>
    %dot_general3A_5 = tpu.matmul %convert_element_type3A, %get3A_4, %dot_general3A {dimension_numbers = #tpu.dot_dimension_numbers<[1], [0], [0], [1], [0, 0, 1, 1], [], []>, transpose_lhs_hint = false} : vector<3136x48xbf16>, vector<48x256xbf16>, vector<3136x256xf32> -> vector<3136x256xf32>
    %get3A_6 = arith.constant 0 : index
    %get3A_7 = arith.constant 0 : index
    %get3A_8 = vector.load %arg4[%get3A_6, %get3A_7] : memref<8x256xf32, #tpu.memory_space<vmem>>, vector<1x256xf32>
    %add3A = vector.broadcast %get3A_8 : vector<1x256xf32> to vector<3136x256xf32>
    %add3A_9 = arith.addf %dot_general3A_5, %add3A : vector<3136x256xf32>
    %max3A = arith.constant 0.000000e+00 : f32
    %max3A_10 = vector.broadcast %max3A : f32 to vector<3136x256xf32>
    %max3A_11 = arith.maximumf %add3A_9, %max3A_10 : vector<3136x256xf32>
    %swap3A = arith.constant 0 : index
    %swap3A_12 = arith.constant 0 : index
    %swap3A_13 = vector.load %arg5[%swap3A, %swap3A_12] : memref<3136x256xf32, #tpu.memory_space<vmem>>, vector<3136x256xf32>
    tpu.vector_store %arg5[%swap3A, %swap3A_12], %max3A_11 {strides = array<i32>} : memref<3136x256xf32, #tpu.memory_space<vmem>>, vector<3136x256xf32>,
    return
  }
  func.func @transform_0(%arg0: i32) -> (i32, i32) {
    %c0_i32 = arith.constant 0 : i32
    %c0_i32_0 = arith.constant 0 : i32
    return %arg0, %c0_i32 : i32, i32
  }
  func.func @transform_1(%arg0: i32) -> (i32, i32) {
    %c0_i32 = arith.constant 0 : i32
    %c0_i32_0 = arith.constant 0 : i32
    %c0_i32_1 = arith.constant 0 : i32
    return %c0_i32, %c0_i32_0 : i32, i32
  }
  func.func @transform_2(%arg0: i32) -> (i32, i32) {
    %c0_i32 = arith.constant 0 : i32
    %c0_i32_0 = arith.constant 0 : i32
    %c0_i32_1 = arith.constant 0 : i32
    return %c0_i32, %c0_i32_0 : i32, i32
  }
  func.func @transform_3(%arg0: i32) -> (i32, i32) {
    %c0_i32 = arith.constant 0 : i32
    %c0_i32_0 = arith.constant 0 : i32
    %c0_i32_1 = arith.constant 0 : i32
    return %c0_i32, %c0_i32_0 : i32, i32
  }
  func.func @transform_4(%arg0: i32) -> (i32, i32) {
    %c0_i32 = arith.constant 0 : i32
    %c0_i32_0 = arith.constant 0 : i32
    return %arg0, %c0_i32 : i32, i32
  }
}

module attributes {stable_mosaic.version = 14 : i64} {
  func.func @_mm_body(%arg0: i32, %arg1: memref<784x4096xf32, #tpu.memory_space<vmem>>, %arg2: memref<4096x256xbf16, #tpu.memory_space<vmem>>, %arg3: memref<8x4096xf32, #tpu.memory_space<vmem>>, %arg4: memref<8x256xf32, #tpu.memory_space<vmem>>, %arg5: memref<784x256xf32, #tpu.memory_space<vmem>>) attributes {dimension_semantics = [#tpu.dimension_semantics<arbitrary>], iteration_bounds = array<i64: 16>, scalar_prefetch = 0 : i64, scratch_operands = 0 : i64, tpu.core_type = #tpu.core_type<tc>, window_params = [{transform_indices = @transform_0, window_bounds = array<i64: 784, 4096>}, {pipeline_mode = #tpu.pipeline_mode<synchronous>, transform_indices = @transform_1, window_bounds = array<i64: 4096, 256>}, {pipeline_mode = #tpu.pipeline_mode<synchronous>, transform_indices = @transform_2, window_bounds = array<i64: 8, 4096>}, {pipeline_mode = #tpu.pipeline_mode<synchronous>, transform_indices = @transform_3, window_bounds = array<i64: 8, 256>}, {transform_indices = @transform_4, window_bounds = array<i64: 784, 256>}]} {
    %get3A = arith.constant 0 : index
    %get3A_0 = arith.constant 0 : index
    %get3A_1 = vector.load %arg1[%get3A, %get3A_0] : memref<784x4096xf32, #tpu.memory_space<vmem>>, vector<784x4096xf32>
    %get3A_2 = arith.constant 0 : index
    %get3A_3 = arith.constant 0 : index
    %get3A_4 = vector.load %arg3[%get3A_2, %get3A_3] : memref<8x4096xf32, #tpu.memory_space<vmem>>, vector<1x4096xf32>
    %sub3A = vector.broadcast %get3A_4 : vector<1x4096xf32> to vector<784x4096xf32>
    %sub3A_5 = arith.subf %get3A_1, %sub3A : vector<784x4096xf32>
    %get3A_6 = arith.constant 1 : index
    %get3A_7 = arith.constant 0 : index
    %get3A_8 = vector.load %arg3[%get3A_6, %get3A_7] : memref<8x4096xf32, #tpu.memory_space<vmem>>, vector<1x4096xf32>
    %div3A = vector.broadcast %get3A_8 : vector<1x4096xf32> to vector<784x4096xf32>
    %div3A_9 = arith.divf %sub3A_5, %div3A : vector<784x4096xf32>
    %get3A_10 = arith.constant 2 : index
    %get3A_11 = arith.constant 0 : index
    %get3A_12 = vector.load %arg3[%get3A_10, %get3A_11] : memref<8x4096xf32, #tpu.memory_space<vmem>>, vector<1x4096xf32>
    %mul3A = vector.broadcast %get3A_12 : vector<1x4096xf32> to vector<784x4096xf32>
    %mul3A_13 = arith.mulf %div3A_9, %mul3A : vector<784x4096xf32>
    %get3A_14 = arith.constant 3 : index
    %get3A_15 = arith.constant 0 : index
    %get3A_16 = vector.load %arg3[%get3A_14, %get3A_15] : memref<8x4096xf32, #tpu.memory_space<vmem>>, vector<1x4096xf32>
    %add3A = vector.broadcast %get3A_16 : vector<1x4096xf32> to vector<784x4096xf32>
    %add3A_17 = arith.addf %mul3A_13, %add3A : vector<784x4096xf32>
    %convert_element_type3A = arith.truncf %add3A_17 : vector<784x4096xf32> to vector<784x4096xbf16>
    %get3A_18 = arith.constant 0 : index
    %get3A_19 = arith.constant 0 : index
    %get3A_20 = vector.load %arg2[%get3A_18, %get3A_19] : memref<4096x256xbf16, #tpu.memory_space<vmem>>, vector<4096x256xbf16>
    %dot_general3A = arith.constant dense<0.000000e+00> : vector<784x256xf32>
    %dot_general3A_21 = tpu.matmul %convert_element_type3A, %get3A_20, %dot_general3A {dimension_numbers = #tpu.dot_dimension_numbers<[1], [0], [0], [1], [0, 0, 1, 1], [], []>, transpose_lhs_hint = false} : vector<784x4096xbf16>, vector<4096x256xbf16>, vector<784x256xf32> -> vector<784x256xf32>
    %get3A_22 = arith.constant 0 : index
    %get3A_23 = arith.constant 0 : index
    %get3A_24 = vector.load %arg4[%get3A_22, %get3A_23] : memref<8x256xf32, #tpu.memory_space<vmem>>, vector<1x256xf32>
    %add3A_25 = vector.broadcast %get3A_24 : vector<1x256xf32> to vector<784x256xf32>
    %add3A_26 = arith.addf %dot_general3A_21, %add3A_25 : vector<784x256xf32>
    %swap3A = arith.constant 0 : index
    %swap3A_27 = arith.constant 0 : index
    %swap3A_28 = vector.load %arg5[%swap3A, %swap3A_27] : memref<784x256xf32, #tpu.memory_space<vmem>>, vector<784x256xf32>
    tpu.vector_store %arg5[%swap3A, %swap3A_27], %add3A_26 {strides = array<i32>} : memref<784x256xf32, #tpu.memory_space<vmem>>, vector<784x256xf32>,
    return
  }
  func.func @transform_0(%arg0: i32) -> (i32, i32) {
    %c0_i32 = arith.constant 0 : i32
    %c0_i32_0 = arith.constant 0 : i32
    return %arg0, %c0_i32 : i32, i32
  }
  func.func @transform_1(%arg0: i32) -> (i32, i32) {
    %c0_i32 = arith.constant 0 : i32
    %c0_i32_0 = arith.constant 0 : i32
    %c0_i32_1 = arith.constant 0 : i32
    return %c0_i32, %c0_i32_0 : i32, i32
  }
  func.func @transform_2(%arg0: i32) -> (i32, i32) {
    %c0_i32 = arith.constant 0 : i32
    %c0_i32_0 = arith.constant 0 : i32
    %c0_i32_1 = arith.constant 0 : i32
    return %c0_i32, %c0_i32_0 : i32, i32
  }
  func.func @transform_3(%arg0: i32) -> (i32, i32) {
    %c0_i32 = arith.constant 0 : i32
    %c0_i32_0 = arith.constant 0 : i32
    %c0_i32_1 = arith.constant 0 : i32
    return %c0_i32, %c0_i32_0 : i32, i32
  }
  func.func @transform_4(%arg0: i32) -> (i32, i32) {
    %c0_i32 = arith.constant 0 : i32
    %c0_i32_0 = arith.constant 0 : i32
    return %arg0, %c0_i32 : i32, i32
  }
}

module attributes {stable_mosaic.version = 14 : i64} {
  func.func @_mm_body(%arg0: i32, %arg1: memref<784x2304xf32, #tpu.memory_space<vmem>>, %arg2: memref<2304x256xbf16, #tpu.memory_space<vmem>>, %arg3: memref<8x2304xf32, #tpu.memory_space<vmem>>, %arg4: memref<8x256xf32, #tpu.memory_space<vmem>>, %arg5: memref<784x256xf32, #tpu.memory_space<vmem>>) attributes {dimension_semantics = [#tpu.dimension_semantics<arbitrary>], iteration_bounds = array<i64: 16>, scalar_prefetch = 0 : i64, scratch_operands = 0 : i64, tpu.core_type = #tpu.core_type<tc>, window_params = [{transform_indices = @transform_0, window_bounds = array<i64: 784, 2304>}, {pipeline_mode = #tpu.pipeline_mode<synchronous>, transform_indices = @transform_1, window_bounds = array<i64: 2304, 256>}, {pipeline_mode = #tpu.pipeline_mode<synchronous>, transform_indices = @transform_2, window_bounds = array<i64: 8, 2304>}, {pipeline_mode = #tpu.pipeline_mode<synchronous>, transform_indices = @transform_3, window_bounds = array<i64: 8, 256>}, {transform_indices = @transform_4, window_bounds = array<i64: 784, 256>}]} {
    %get3A = arith.constant 0 : index
    %get3A_0 = arith.constant 0 : index
    %get3A_1 = vector.load %arg1[%get3A, %get3A_0] : memref<784x2304xf32, #tpu.memory_space<vmem>>, vector<784x2304xf32>
    %get3A_2 = arith.constant 0 : index
    %get3A_3 = arith.constant 0 : index
    %get3A_4 = vector.load %arg3[%get3A_2, %get3A_3] : memref<8x2304xf32, #tpu.memory_space<vmem>>, vector<1x2304xf32>
    %sub3A = vector.broadcast %get3A_4 : vector<1x2304xf32> to vector<784x2304xf32>
    %sub3A_5 = arith.subf %get3A_1, %sub3A : vector<784x2304xf32>
    %get3A_6 = arith.constant 1 : index
    %get3A_7 = arith.constant 0 : index
    %get3A_8 = vector.load %arg3[%get3A_6, %get3A_7] : memref<8x2304xf32, #tpu.memory_space<vmem>>, vector<1x2304xf32>
    %div3A = vector.broadcast %get3A_8 : vector<1x2304xf32> to vector<784x2304xf32>
    %div3A_9 = arith.divf %sub3A_5, %div3A : vector<784x2304xf32>
    %get3A_10 = arith.constant 2 : index
    %get3A_11 = arith.constant 0 : index
    %get3A_12 = vector.load %arg3[%get3A_10, %get3A_11] : memref<8x2304xf32, #tpu.memory_space<vmem>>, vector<1x2304xf32>
    %mul3A = vector.broadcast %get3A_12 : vector<1x2304xf32> to vector<784x2304xf32>
    %mul3A_13 = arith.mulf %div3A_9, %mul3A : vector<784x2304xf32>
    %get3A_14 = arith.constant 3 : index
    %get3A_15 = arith.constant 0 : index
    %get3A_16 = vector.load %arg3[%get3A_14, %get3A_15] : memref<8x2304xf32, #tpu.memory_space<vmem>>, vector<1x2304xf32>
    %add3A = vector.broadcast %get3A_16 : vector<1x2304xf32> to vector<784x2304xf32>
    %add3A_17 = arith.addf %mul3A_13, %add3A : vector<784x2304xf32>
    %max3A = arith.constant 0.000000e+00 : f32
    %max3A_18 = vector.broadcast %max3A : f32 to vector<784x2304xf32>
    %max3A_19 = arith.maximumf %add3A_17, %max3A_18 : vector<784x2304xf32>
    %convert_element_type3A = arith.truncf %max3A_19 : vector<784x2304xf32> to vector<784x2304xbf16>
    %get3A_20 = arith.constant 0 : index
    %get3A_21 = arith.constant 0 : index
    %get3A_22 = vector.load %arg2[%get3A_20, %get3A_21] : memref<2304x256xbf16, #tpu.memory_space<vmem>>, vector<2304x256xbf16>
    %dot_general3A = arith.constant dense<0.000000e+00> : vector<784x256xf32>
    %dot_general3A_23 = tpu.matmul %convert_element_type3A, %get3A_22, %dot_general3A {dimension_numbers = #tpu.dot_dimension_numbers<[1], [0], [0], [1], [0, 0, 1, 1], [], []>, transpose_lhs_hint = false} : vector<784x2304xbf16>, vector<2304x256xbf16>, vector<784x256xf32> -> vector<784x256xf32>
    %get3A_24 = arith.constant 0 : index
    %get3A_25 = arith.constant 0 : index
    %get3A_26 = vector.load %arg4[%get3A_24, %get3A_25] : memref<8x256xf32, #tpu.memory_space<vmem>>, vector<1x256xf32>
    %add3A_27 = vector.broadcast %get3A_26 : vector<1x256xf32> to vector<784x256xf32>
    %add3A_28 = arith.addf %dot_general3A_23, %add3A_27 : vector<784x256xf32>
    %swap3A = arith.constant 0 : index
    %swap3A_29 = arith.constant 0 : index
    %swap3A_30 = vector.load %arg5[%swap3A, %swap3A_29] : memref<784x256xf32, #tpu.memory_space<vmem>>, vector<784x256xf32>
    tpu.vector_store %arg5[%swap3A, %swap3A_29], %add3A_28 {strides = array<i32>} : memref<784x256xf32, #tpu.memory_space<vmem>>, vector<784x256xf32>,
    return
  }
  func.func @transform_0(%arg0: i32) -> (i32, i32) {
    %c0_i32 = arith.constant 0 : i32
    %c0_i32_0 = arith.constant 0 : i32
    return %arg0, %c0_i32 : i32, i32
  }
  func.func @transform_1(%arg0: i32) -> (i32, i32) {
    %c0_i32 = arith.constant 0 : i32
    %c0_i32_0 = arith.constant 0 : i32
    %c0_i32_1 = arith.constant 0 : i32
    return %c0_i32, %c0_i32_0 : i32, i32
  }
  func.func @transform_2(%arg0: i32) -> (i32, i32) {
    %c0_i32 = arith.constant 0 : i32
    %c0_i32_0 = arith.constant 0 : i32
    %c0_i32_1 = arith.constant 0 : i32
    return %c0_i32, %c0_i32_0 : i32, i32
  }
  func.func @transform_3(%arg0: i32) -> (i32, i32) {
    %c0_i32 = arith.constant 0 : i32
    %c0_i32_0 = arith.constant 0 : i32
    %c0_i32_1 = arith.constant 0 : i32
    return %c0_i32, %c0_i32_0 : i32, i32
  }
  func.func @transform_4(%arg0: i32) -> (i32, i32) {
    %c0_i32 = arith.constant 0 : i32
    %c0_i32_0 = arith.constant 0 : i32
    return %arg0, %c0_i32 : i32, i32
  }
}

module attributes {stable_mosaic.version = 14 : i64} {
  func.func @_mm_body(%arg0: i32, %arg1: memref<784x256xf32, #tpu.memory_space<vmem>>, %arg2: memref<256x256xbf16, #tpu.memory_space<vmem>>, %arg3: memref<8x256xf32, #tpu.memory_space<vmem>>, %arg4: memref<8x256xf32, #tpu.memory_space<vmem>>, %arg5: memref<784x256xf32, #tpu.memory_space<vmem>>, %arg6: memref<784x256xf32, #tpu.memory_space<vmem>>) attributes {dimension_semantics = [#tpu.dimension_semantics<arbitrary>], iteration_bounds = array<i64: 16>, scalar_prefetch = 0 : i64, scratch_operands = 0 : i64, tpu.core_type = #tpu.core_type<tc>, window_params = [{transform_indices = @transform_0, window_bounds = array<i64: 784, 256>}, {pipeline_mode = #tpu.pipeline_mode<synchronous>, transform_indices = @transform_1, window_bounds = array<i64: 256, 256>}, {pipeline_mode = #tpu.pipeline_mode<synchronous>, transform_indices = @transform_2, window_bounds = array<i64: 8, 256>}, {pipeline_mode = #tpu.pipeline_mode<synchronous>, transform_indices = @transform_3, window_bounds = array<i64: 8, 256>}, {transform_indices = @transform_4, window_bounds = array<i64: 784, 256>}, {transform_indices = @transform_5, window_bounds = array<i64: 784, 256>}]} {
    %get3A = arith.constant 0 : index
    %get3A_0 = arith.constant 0 : index
    %get3A_1 = vector.load %arg1[%get3A, %get3A_0] : memref<784x256xf32, #tpu.memory_space<vmem>>, vector<784x256xf32>
    %get3A_2 = arith.constant 0 : index
    %get3A_3 = arith.constant 0 : index
    %get3A_4 = vector.load %arg3[%get3A_2, %get3A_3] : memref<8x256xf32, #tpu.memory_space<vmem>>, vector<1x256xf32>
    %sub3A = vector.broadcast %get3A_4 : vector<1x256xf32> to vector<784x256xf32>
    %sub3A_5 = arith.subf %get3A_1, %sub3A : vector<784x256xf32>
    %get3A_6 = arith.constant 1 : index
    %get3A_7 = arith.constant 0 : index
    %get3A_8 = vector.load %arg3[%get3A_6, %get3A_7] : memref<8x256xf32, #tpu.memory_space<vmem>>, vector<1x256xf32>
    %div3A = vector.broadcast %get3A_8 : vector<1x256xf32> to vector<784x256xf32>
    %div3A_9 = arith.divf %sub3A_5, %div3A : vector<784x256xf32>
    %get3A_10 = arith.constant 2 : index
    %get3A_11 = arith.constant 0 : index
    %get3A_12 = vector.load %arg3[%get3A_10, %get3A_11] : memref<8x256xf32, #tpu.memory_space<vmem>>, vector<1x256xf32>
    %mul3A = vector.broadcast %get3A_12 : vector<1x256xf32> to vector<784x256xf32>
    %mul3A_13 = arith.mulf %div3A_9, %mul3A : vector<784x256xf32>
    %get3A_14 = arith.constant 3 : index
    %get3A_15 = arith.constant 0 : index
    %get3A_16 = vector.load %arg3[%get3A_14, %get3A_15] : memref<8x256xf32, #tpu.memory_space<vmem>>, vector<1x256xf32>
    %add3A = vector.broadcast %get3A_16 : vector<1x256xf32> to vector<784x256xf32>
    %add3A_17 = arith.addf %mul3A_13, %add3A : vector<784x256xf32>
    %max3A = arith.constant 0.000000e+00 : f32
    %max3A_18 = vector.broadcast %max3A : f32 to vector<784x256xf32>
    %max3A_19 = arith.maximumf %add3A_17, %max3A_18 : vector<784x256xf32>
    %convert_element_type3A = arith.truncf %max3A_19 : vector<784x256xf32> to vector<784x256xbf16>
    %get3A_20 = arith.constant 0 : index
    %get3A_21 = arith.constant 0 : index
    %get3A_22 = vector.load %arg2[%get3A_20, %get3A_21] : memref<256x256xbf16, #tpu.memory_space<vmem>>, vector<256x256xbf16>
    %dot_general3A = arith.constant dense<0.000000e+00> : vector<784x256xf32>
    %dot_general3A_23 = tpu.matmul %convert_element_type3A, %get3A_22, %dot_general3A {dimension_numbers = #tpu.dot_dimension_numbers<[1], [0], [0], [1], [0, 0, 1, 1], [], []>, transpose_lhs_hint = false} : vector<784x256xbf16>, vector<256x256xbf16>, vector<784x256xf32> -> vector<784x256xf32>
    %get3A_24 = arith.constant 0 : index
    %get3A_25 = arith.constant 0 : index
    %get3A_26 = vector.load %arg4[%get3A_24, %get3A_25] : memref<8x256xf32, #tpu.memory_space<vmem>>, vector<1x256xf32>
    %add3A_27 = vector.broadcast %get3A_26 : vector<1x256xf32> to vector<784x256xf32>
    %add3A_28 = arith.addf %dot_general3A_23, %add3A_27 : vector<784x256xf32>
    %get3A_29 = arith.constant 0 : index
    %get3A_30 = arith.constant 0 : index
    %get3A_31 = vector.load %arg5[%get3A_29, %get3A_30] : memref<784x256xf32, #tpu.memory_space<vmem>>, vector<784x256xf32>
    %add3A_32 = arith.addf %get3A_31, %add3A_28 : vector<784x256xf32>
    %swap3A = arith.constant 0 : index
    %swap3A_33 = arith.constant 0 : index
    %swap3A_34 = vector.load %arg6[%swap3A, %swap3A_33] : memref<784x256xf32, #tpu.memory_space<vmem>>, vector<784x256xf32>
    tpu.vector_store %arg6[%swap3A, %swap3A_33], %add3A_32 {strides = array<i32>} : memref<784x256xf32, #tpu.memory_space<vmem>>, vector<784x256xf32>,
    return
  }
  func.func @transform_0(%arg0: i32) -> (i32, i32) {
    %c0_i32 = arith.constant 0 : i32
    %c0_i32_0 = arith.constant 0 : i32
    return %arg0, %c0_i32 : i32, i32
  }
  func.func @transform_1(%arg0: i32) -> (i32, i32) {
    %c0_i32 = arith.constant 0 : i32
    %c0_i32_0 = arith.constant 0 : i32
    %c0_i32_1 = arith.constant 0 : i32
    return %c0_i32, %c0_i32_0 : i32, i32
  }
  func.func @transform_2(%arg0: i32) -> (i32, i32) {
    %c0_i32 = arith.constant 0 : i32
    %c0_i32_0 = arith.constant 0 : i32
    %c0_i32_1 = arith.constant 0 : i32
    return %c0_i32, %c0_i32_0 : i32, i32
  }
  func.func @transform_3(%arg0: i32) -> (i32, i32) {
    %c0_i32 = arith.constant 0 : i32
    %c0_i32_0 = arith.constant 0 : i32
    %c0_i32_1 = arith.constant 0 : i32
    return %c0_i32, %c0_i32_0 : i32, i32
  }
  func.func @transform_4(%arg0: i32) -> (i32, i32) {
    %c0_i32 = arith.constant 0 : i32
    %c0_i32_0 = arith.constant 0 : i32
    return %arg0, %c0_i32 : i32, i32
  }
  func.func @transform_5(%arg0: i32) -> (i32, i32) {
    %c0_i32 = arith.constant 0 : i32
    %c0_i32_0 = arith.constant 0 : i32
    return %arg0, %c0_i32 : i32, i32
  }
}

module attributes {stable_mosaic.version = 14 : i64} {
  func.func @_mm_body(%arg0: i32, %arg1: memref<784x256xf32, #tpu.memory_space<vmem>>, %arg2: memref<256x256xbf16, #tpu.memory_space<vmem>>, %arg3: memref<8x256xf32, #tpu.memory_space<vmem>>, %arg4: memref<8x256xf32, #tpu.memory_space<vmem>>, %arg5: memref<784x256xf32, #tpu.memory_space<vmem>>, %arg6: memref<784x256xf32, #tpu.memory_space<vmem>>) attributes {dimension_semantics = [#tpu.dimension_semantics<arbitrary>], iteration_bounds = array<i64: 16>, scalar_prefetch = 0 : i64, scratch_operands = 0 : i64, tpu.core_type = #tpu.core_type<tc>, window_params = [{transform_indices = @transform_0, window_bounds = array<i64: 784, 256>}, {pipeline_mode = #tpu.pipeline_mode<synchronous>, transform_indices = @transform_1, window_bounds = array<i64: 256, 256>}, {pipeline_mode = #tpu.pipeline_mode<synchronous>, transform_indices = @transform_2, window_bounds = array<i64: 8, 256>}, {pipeline_mode = #tpu.pipeline_mode<synchronous>, transform_indices = @transform_3, window_bounds = array<i64: 8, 256>}, {transform_indices = @transform_4, window_bounds = array<i64: 784, 256>}, {transform_indices = @transform_5, window_bounds = array<i64: 784, 256>}]} {
    %get3A = arith.constant 0 : index
    %get3A_0 = arith.constant 0 : index
    %get3A_1 = vector.load %arg1[%get3A, %get3A_0] : memref<784x256xf32, #tpu.memory_space<vmem>>, vector<784x256xf32>
    %get3A_2 = arith.constant 0 : index
    %get3A_3 = arith.constant 0 : index
    %get3A_4 = vector.load %arg3[%get3A_2, %get3A_3] : memref<8x256xf32, #tpu.memory_space<vmem>>, vector<1x256xf32>
    %sub3A = vector.broadcast %get3A_4 : vector<1x256xf32> to vector<784x256xf32>
    %sub3A_5 = arith.subf %get3A_1, %sub3A : vector<784x256xf32>
    %get3A_6 = arith.constant 1 : index
    %get3A_7 = arith.constant 0 : index
    %get3A_8 = vector.load %arg3[%get3A_6, %get3A_7] : memref<8x256xf32, #tpu.memory_space<vmem>>, vector<1x256xf32>
    %div3A = vector.broadcast %get3A_8 : vector<1x256xf32> to vector<784x256xf32>
    %div3A_9 = arith.divf %sub3A_5, %div3A : vector<784x256xf32>
    %get3A_10 = arith.constant 2 : index
    %get3A_11 = arith.constant 0 : index
    %get3A_12 = vector.load %arg3[%get3A_10, %get3A_11] : memref<8x256xf32, #tpu.memory_space<vmem>>, vector<1x256xf32>
    %mul3A = vector.broadcast %get3A_12 : vector<1x256xf32> to vector<784x256xf32>
    %mul3A_13 = arith.mulf %div3A_9, %mul3A : vector<784x256xf32>
    %get3A_14 = arith.constant 3 : index
    %get3A_15 = arith.constant 0 : index
    %get3A_16 = vector.load %arg3[%get3A_14, %get3A_15] : memref<8x256xf32, #tpu.memory_space<vmem>>, vector<1x256xf32>
    %add3A = vector.broadcast %get3A_16 : vector<1x256xf32> to vector<784x256xf32>
    %add3A_17 = arith.addf %mul3A_13, %add3A : vector<784x256xf32>
    %max3A = arith.constant 0.000000e+00 : f32
    %max3A_18 = vector.broadcast %max3A : f32 to vector<784x256xf32>
    %max3A_19 = arith.maximumf %add3A_17, %max3A_18 : vector<784x256xf32>
    %convert_element_type3A = arith.truncf %max3A_19 : vector<784x256xf32> to vector<784x256xbf16>
    %get3A_20 = arith.constant 0 : index
    %get3A_21 = arith.constant 0 : index
    %get3A_22 = vector.load %arg2[%get3A_20, %get3A_21] : memref<256x256xbf16, #tpu.memory_space<vmem>>, vector<256x256xbf16>
    %dot_general3A = arith.constant dense<0.000000e+00> : vector<784x256xf32>
    %dot_general3A_23 = tpu.matmul %convert_element_type3A, %get3A_22, %dot_general3A {dimension_numbers = #tpu.dot_dimension_numbers<[1], [0], [0], [1], [0, 0, 1, 1], [], []>, transpose_lhs_hint = false} : vector<784x256xbf16>, vector<256x256xbf16>, vector<784x256xf32> -> vector<784x256xf32>
    %get3A_24 = arith.constant 0 : index
    %get3A_25 = arith.constant 0 : index
    %get3A_26 = vector.load %arg4[%get3A_24, %get3A_25] : memref<8x256xf32, #tpu.memory_space<vmem>>, vector<1x256xf32>
    %add3A_27 = vector.broadcast %get3A_26 : vector<1x256xf32> to vector<784x256xf32>
    %add3A_28 = arith.addf %dot_general3A_23, %add3A_27 : vector<784x256xf32>
    %get3A_29 = arith.constant 0 : index
    %get3A_30 = arith.constant 0 : index
    %get3A_31 = vector.load %arg5[%get3A_29, %get3A_30] : memref<784x256xf32, #tpu.memory_space<vmem>>, vector<784x256xf32>
    %add3A_32 = arith.addf %get3A_31, %add3A_28 : vector<784x256xf32>
    %swap3A = arith.constant 0 : index
    %swap3A_33 = arith.constant 0 : index
    %swap3A_34 = vector.load %arg6[%swap3A, %swap3A_33] : memref<784x256xf32, #tpu.memory_space<vmem>>, vector<784x256xf32>
    tpu.vector_store %arg6[%swap3A, %swap3A_33], %add3A_32 {strides = array<i32>} : memref<784x256xf32, #tpu.memory_space<vmem>>, vector<784x256xf32>,
    return
  }
  func.func @transform_0(%arg0: i32) -> (i32, i32) {
    %c0_i32 = arith.constant 0 : i32
    %c0_i32_0 = arith.constant 0 : i32
    return %arg0, %c0_i32 : i32, i32
  }
  func.func @transform_1(%arg0: i32) -> (i32, i32) {
    %c0_i32 = arith.constant 0 : i32
    %c0_i32_0 = arith.constant 0 : i32
    %c0_i32_1 = arith.constant 0 : i32
    return %c0_i32, %c0_i32_0 : i32, i32
  }
  func.func @transform_2(%arg0: i32) -> (i32, i32) {
    %c0_i32 = arith.constant 0 : i32
    %c0_i32_0 = arith.constant 0 : i32
    %c0_i32_1 = arith.constant 0 : i32
    return %c0_i32, %c0_i32_0 : i32, i32
  }
  func.func @transform_3(%arg0: i32) -> (i32, i32) {
    %c0_i32 = arith.constant 0 : i32
    %c0_i32_0 = arith.constant 0 : i32
    %c0_i32_1 = arith.constant 0 : i32
    return %c0_i32, %c0_i32_0 : i32, i32
  }
  func.func @transform_4(%arg0: i32) -> (i32, i32) {
    %c0_i32 = arith.constant 0 : i32
    %c0_i32_0 = arith.constant 0 : i32
    return %arg0, %c0_i32 : i32, i32
  }
  func.func @transform_5(%arg0: i32) -> (i32, i32) {
    %c0_i32 = arith.constant 0 : i32
    %c0_i32_0 = arith.constant 0 : i32
    return %arg0, %c0_i32 : i32, i32
  }
}

module attributes {stable_mosaic.version = 14 : i64} {
  func.func @_vq_body(%arg0: i32, %arg1: memref<784x256xf32, #tpu.memory_space<vmem>>, %arg2: memref<256x1024xbf16, #tpu.memory_space<vmem>>, %arg3: memref<1024x256xf32, #tpu.memory_space<vmem>>, %arg4: memref<784x256xf32, #tpu.memory_space<vmem>>, %arg5: memref<784x256xf32, #tpu.memory_space<vmem>>, %arg6: memref<8x256xf32, #tpu.memory_space<vmem>>) attributes {dimension_semantics = [#tpu.dimension_semantics<arbitrary>], iteration_bounds = array<i64: 16>, scalar_prefetch = 0 : i64, scratch_operands = 0 : i64, tpu.core_type = #tpu.core_type<tc>, window_params = [{transform_indices = @transform_0, window_bounds = array<i64: 784, 256>}, {pipeline_mode = #tpu.pipeline_mode<synchronous>, transform_indices = @transform_1, window_bounds = array<i64: 256, 1024>}, {pipeline_mode = #tpu.pipeline_mode<synchronous>, transform_indices = @transform_2, window_bounds = array<i64: 1024, 256>}, {transform_indices = @transform_3, window_bounds = array<i64: 784, 256>}, {transform_indices = @transform_4, window_bounds = array<i64: 784, 256>}, {pipeline_mode = #tpu.pipeline_mode<synchronous>, transform_indices = @transform_5, window_bounds = array<i64: 8, 256>}]} {
    %get3A = arith.constant 0 : index
    %get3A_0 = arith.constant 0 : index
    %get3A_1 = vector.load %arg1[%get3A, %get3A_0] : memref<784x256xf32, #tpu.memory_space<vmem>>, vector<784x256xf32>
    %mul3A = arith.mulf %get3A_1, %get3A_1 : vector<784x256xf32>
    %reduce_sum3A = arith.constant dense<0.000000e+00> : vector<784xf32>
    %reduce_sum3A_2 = vector.multi_reduction <add>, %mul3A, %reduce_sum3A [1] : vector<784x256xf32> to vector<784xf32>
    %broadcast_in_dim3A = vector.shape_cast %reduce_sum3A_2 : vector<784xf32> to vector<784x1xf32>
    %convert_element_type3A = arith.truncf %get3A_1 : vector<784x256xf32> to vector<784x256xbf16>
    %get3A_3 = arith.constant 0 : index
    %get3A_4 = arith.constant 0 : index
    %get3A_5 = vector.load %arg2[%get3A_3, %get3A_4] : memref<256x1024xbf16, #tpu.memory_space<vmem>>, vector<256x1024xbf16>
    %dot_general3A = arith.constant dense<0.000000e+00> : vector<784x1024xf32>
    %dot_general3A_6 = tpu.matmul %convert_element_type3A, %get3A_5, %dot_general3A {dimension_numbers = #tpu.dot_dimension_numbers<[1], [0], [0], [1], [0, 0, 1, 1], [], []>, transpose_lhs_hint = false} : vector<784x256xbf16>, vector<256x1024xbf16>, vector<784x1024xf32> -> vector<784x1024xf32>
    %get3A_7 = arith.constant 0 : index
    %get3A_8 = arith.constant 0 : index
    %get3A_9 = vector.load %arg3[%get3A_7, %get3A_8] : memref<1024x256xf32, #tpu.memory_space<vmem>>, vector<1024x256xf32>
    %mul3A_10 = arith.mulf %get3A_9, %get3A_9 : vector<1024x256xf32>
    %reduce_sum3A_11 = arith.constant dense<0.000000e+00> : vector<1024xf32>
    %reduce_sum3A_12 = vector.multi_reduction <add>, %mul3A_10, %reduce_sum3A_11 [1] : vector<1024x256xf32> to vector<1024xf32>
    %mul3A_13 = arith.constant 2.000000e+00 : f32
    %mul3A_14 = vector.broadcast %mul3A_13 : f32 to vector<784x1024xf32>
    %mul3A_15 = arith.mulf %mul3A_14, %dot_general3A_6 : vector<784x1024xf32>
    %sub3A = vector.broadcast %broadcast_in_dim3A : vector<784x1xf32> to vector<784x1024xf32>
    %sub3A_16 = arith.subf %sub3A, %mul3A_15 : vector<784x1024xf32>
    %broadcast_in_dim3A_17 = vector.shape_cast %reduce_sum3A_12 : vector<1024xf32> to vector<1x1024xf32>
    %add3A = vector.broadcast %broadcast_in_dim3A_17 : vector<1x1024xf32> to vector<784x1024xf32>
    %add3A_18 = arith.addf %sub3A_16, %add3A : vector<784x1024xf32>
    %reduce_min3A = arith.constant dense<0x7F800000> : vector<784xf32>
    %reduce_min3A_19 = vector.multi_reduction <minimumf>, %add3A_18, %reduce_min3A [1] : vector<784x1024xf32> to vector<784xf32>
    %broadcast_in_dim3A_20 = vector.shape_cast %reduce_min3A_19 : vector<784xf32> to vector<784x1xf32>
    %iota3A = tpu.iota {dimensions = array<i32: 1>} : vector<784x1024xi32>
    %eq3A = vector.broadcast %broadcast_in_dim3A_20 : vector<784x1xf32> to vector<784x1024xf32>
    %eq3A_21 = arith.cmpf oeq, %add3A_18, %eq3A : vector<784x1024xf32>
    %jit3A = arith.constant 1073741824 : i32
    %broadcast_in_dim3A_22 = vector.broadcast %jit3A : i32 to vector<784x1024xi32>
    %select_n3A = arith.select %eq3A_21, %iota3A, %broadcast_in_dim3A_22 : vector<784x1024xi1>, vector<784x1024xi32>
    %reduce_min3A_23 = arith.constant dense<2147483647> : vector<784xi32>
    %reduce_min3A_24 = vector.multi_reduction <minsi>, %select_n3A, %reduce_min3A_23 [1] : vector<784x1024xi32> to vector<784xi32>
    %broadcast_in_dim3A_25 = vector.shape_cast %reduce_min3A_24 : vector<784xi32> to vector<784x1xi32>
    %eq3A_26 = vector.broadcast %broadcast_in_dim3A_25 : vector<784x1xi32> to vector<784x1024xi32>
    %eq3A_27 = arith.cmpi eq, %iota3A, %eq3A_26 : vector<784x1024xi32>
    %convert_element_type3A_28 = arith.extui %eq3A_27 : vector<784x1024xi1> to vector<784x1024xi32>
    %convert_element_type3A_29 = arith.sitofp %convert_element_type3A_28 : vector<784x1024xi32> to vector<784x1024xf32>
    %dot_general3A_30 = arith.constant dense<0.000000e+00> : vector<784x256xf32>
    %dot_general3A_31 = tpu.matmul %convert_element_type3A_29, %get3A_9, %dot_general3A_30 {dimension_numbers = #tpu.dot_dimension_numbers<[1], [0], [0], [1], [0, 0, 1, 1], [], []>, precision = #tpu.contract_precision<fp32>, transpose_lhs_hint = false} : vector<784x1024xf32>, vector<1024x256xf32>, vector<784x256xf32> -> vector<784x256xf32>
    %sub3A_32 = arith.subf %dot_general3A_31, %get3A_1 : vector<784x256xf32>
    %add3A_33 = arith.addf %sub3A_32, %get3A_1 : vector<784x256xf32>
    %swap3A = arith.constant 0 : index
    %swap3A_34 = arith.constant 0 : index
    %swap3A_35 = vector.load %arg4[%swap3A, %swap3A_34] : memref<784x256xf32, #tpu.memory_space<vmem>>, vector<784x256xf32>
    tpu.vector_store %arg4[%swap3A, %swap3A_34], %dot_general3A_31 {strides = array<i32>} : memref<784x256xf32, #tpu.memory_space<vmem>>, vector<784x256xf32>,
    %swap3A_36 = arith.constant 0 : index
    %swap3A_37 = arith.constant 0 : index
    %swap3A_38 = vector.load %arg5[%swap3A_36, %swap3A_37] : memref<784x256xf32, #tpu.memory_space<vmem>>, vector<784x256xf32>
    tpu.vector_store %arg5[%swap3A_36, %swap3A_37], %add3A_33 {strides = array<i32>} : memref<784x256xf32, #tpu.memory_space<vmem>>, vector<784x256xf32>,
    %eq3A_39 = arith.constant 0 : i32
    %eq3A_40 = arith.cmpi eq, %arg0, %eq3A_39 : i32
    %convert_element_type3A_41 = arith.extui %eq3A_40 : i1 to i32
    %cond3A = arith.constant 0 : i32
    %cond3A_42 = arith.cmpi ne, %convert_element_type3A_41, %cond3A : i32
    scf.if %cond3A_42 {
      %broadcast_in_dim3A_64 = arith.constant 0.000000e+00 : f32
      %broadcast_in_dim3A_65 = vector.broadcast %broadcast_in_dim3A_64 : f32 to vector<8x256xf32>
      %swap3A_66 = arith.constant 0 : index
      %swap3A_67 = arith.constant 0 : index
      %swap3A_68 = vector.load %arg6[%swap3A_66, %swap3A_67] : memref<8x256xf32, #tpu.memory_space<vmem>>, vector<8x256xf32>
      tpu.vector_store %arg6[%swap3A_66, %swap3A_67], %broadcast_in_dim3A_65 {strides = array<i32>} : memref<8x256xf32, #tpu.memory_space<vmem>>, vector<8x256xf32>,
    } else {
    }
    %get3A_43 = arith.constant 0 : index
    %get3A_44 = arith.constant 0 : index
    %get3A_45 = vector.load %arg6[%get3A_43, %get3A_44] : memref<8x256xf32, #tpu.memory_space<vmem>>, vector<1x256xf32>
    %reduce_sum3A_46 = arith.constant dense<0.000000e+00> : vector<256xf32>
    %reduce_sum3A_47 = vector.multi_reduction <add>, %add3A_33, %reduce_sum3A_46 [0] : vector<784x256xf32> to vector<256xf32>
    %broadcast_in_dim3A_48 = vector.shape_cast %reduce_sum3A_47 : vector<256xf32> to vector<1x256xf32>
    %add3A_49 = arith.addf %get3A_45, %broadcast_in_dim3A_48 : vector<1x256xf32>
    %swap3A_50 = arith.constant 0 : index
    %swap3A_51 = arith.constant 0 : index
    %swap3A_52 = vector.load %arg6[%swap3A_50, %swap3A_51] : memref<8x256xf32, #tpu.memory_space<vmem>>, vector<1x256xf32>
    tpu.vector_store %arg6[%swap3A_50, %swap3A_51], %add3A_49 {strides = array<i32>} : memref<8x256xf32, #tpu.memory_space<vmem>>, vector<1x256xf32>,
    %get3A_53 = arith.constant 1 : index
    %get3A_54 = arith.constant 0 : index
    %get3A_55 = vector.load %arg6[%get3A_53, %get3A_54] : memref<8x256xf32, #tpu.memory_space<vmem>>, vector<1x256xf32>
    %mul3A_56 = arith.mulf %add3A_33, %add3A_33 : vector<784x256xf32>
    %reduce_sum3A_57 = arith.constant dense<0.000000e+00> : vector<256xf32>
    %reduce_sum3A_58 = vector.multi_reduction <add>, %mul3A_56, %reduce_sum3A_57 [0] : vector<784x256xf32> to vector<256xf32>
    %broadcast_in_dim3A_59 = vector.shape_cast %reduce_sum3A_58 : vector<256xf32> to vector<1x256xf32>
    %add3A_60 = arith.addf %get3A_55, %broadcast_in_dim3A_59 : vector<1x256xf32>
    %swap3A_61 = arith.constant 1 : index
    %swap3A_62 = arith.constant 0 : index
    %swap3A_63 = vector.load %arg6[%swap3A_61, %swap3A_62] : memref<8x256xf32, #tpu.memory_space<vmem>>, vector<1x256xf32>
    tpu.vector_store %arg6[%swap3A_61, %swap3A_62], %add3A_60 {strides = array<i32>} : memref<8x256xf32, #tpu.memory_space<vmem>>, vector<1x256xf32>,
    return
  }
  func.func @transform_0(%arg0: i32) -> (i32, i32) {
    %c0_i32 = arith.constant 0 : i32
    %c0_i32_0 = arith.constant 0 : i32
    return %arg0, %c0_i32 : i32, i32
  }
  func.func @transform_1(%arg0: i32) -> (i32, i32) {
    %c0_i32 = arith.constant 0 : i32
    %c0_i32_0 = arith.constant 0 : i32
    %c0_i32_1 = arith.constant 0 : i32
    return %c0_i32, %c0_i32_0 : i32, i32
  }
  func.func @transform_2(%arg0: i32) -> (i32, i32) {
    %c0_i32 = arith.constant 0 : i32
    %c0_i32_0 = arith.constant 0 : i32
    %c0_i32_1 = arith.constant 0 : i32
    return %c0_i32, %c0_i32_0 : i32, i32
  }
  func.func @transform_3(%arg0: i32) -> (i32, i32) {
    %c0_i32 = arith.constant 0 : i32
    %c0_i32_0 = arith.constant 0 : i32
    return %arg0, %c0_i32 : i32, i32
  }
  func.func @transform_4(%arg0: i32) -> (i32, i32) {
    %c0_i32 = arith.constant 0 : i32
    %c0_i32_0 = arith.constant 0 : i32
    return %arg0, %c0_i32 : i32, i32
  }
  func.func @transform_5(%arg0: i32) -> (i32, i32) {
    %c0_i32 = arith.constant 0 : i32
    %c0_i32_0 = arith.constant 0 : i32
    %c0_i32_1 = arith.constant 0 : i32
    return %c0_i32, %c0_i32_0 : i32, i32
  }
}

module attributes {stable_mosaic.version = 14 : i64} {
  func.func @_mm_body(%arg0: i32, %arg1: memref<784x2304xf32, #tpu.memory_space<vmem>>, %arg2: memref<2304x256xbf16, #tpu.memory_space<vmem>>, %arg3: memref<8x2304xf32, #tpu.memory_space<vmem>>, %arg4: memref<8x256xf32, #tpu.memory_space<vmem>>, %arg5: memref<784x256xf32, #tpu.memory_space<vmem>>, %arg6: memref<8x256xf32, #tpu.memory_space<vmem>>) attributes {dimension_semantics = [#tpu.dimension_semantics<arbitrary>], iteration_bounds = array<i64: 16>, scalar_prefetch = 0 : i64, scratch_operands = 0 : i64, tpu.core_type = #tpu.core_type<tc>, window_params = [{transform_indices = @transform_0, window_bounds = array<i64: 784, 2304>}, {pipeline_mode = #tpu.pipeline_mode<synchronous>, transform_indices = @transform_1, window_bounds = array<i64: 2304, 256>}, {pipeline_mode = #tpu.pipeline_mode<synchronous>, transform_indices = @transform_2, window_bounds = array<i64: 8, 2304>}, {pipeline_mode = #tpu.pipeline_mode<synchronous>, transform_indices = @transform_3, window_bounds = array<i64: 8, 256>}, {transform_indices = @transform_4, window_bounds = array<i64: 784, 256>}, {pipeline_mode = #tpu.pipeline_mode<synchronous>, transform_indices = @transform_5, window_bounds = array<i64: 8, 256>}]} {
    %get3A = arith.constant 0 : index
    %get3A_0 = arith.constant 0 : index
    %get3A_1 = vector.load %arg1[%get3A, %get3A_0] : memref<784x2304xf32, #tpu.memory_space<vmem>>, vector<784x2304xf32>
    %get3A_2 = arith.constant 0 : index
    %get3A_3 = arith.constant 0 : index
    %get3A_4 = vector.load %arg3[%get3A_2, %get3A_3] : memref<8x2304xf32, #tpu.memory_space<vmem>>, vector<1x2304xf32>
    %mul3A = vector.broadcast %get3A_4 : vector<1x2304xf32> to vector<784x2304xf32>
    %mul3A_5 = arith.mulf %get3A_1, %mul3A : vector<784x2304xf32>
    %get3A_6 = arith.constant 1 : index
    %get3A_7 = arith.constant 0 : index
    %get3A_8 = vector.load %arg3[%get3A_6, %get3A_7] : memref<8x2304xf32, #tpu.memory_space<vmem>>, vector<1x2304xf32>
    %add3A = vector.broadcast %get3A_8 : vector<1x2304xf32> to vector<784x2304xf32>
    %add3A_9 = arith.addf %mul3A_5, %add3A : vector<784x2304xf32>
    %max3A = arith.constant 0.000000e+00 : f32
    %max3A_10 = vector.broadcast %max3A : f32 to vector<784x2304xf32>
    %max3A_11 = arith.maximumf %add3A_9, %max3A_10 : vector<784x2304xf32>
    %convert_element_type3A = arith.truncf %max3A_11 : vector<784x2304xf32> to vector<784x2304xbf16>
    %get3A_12 = arith.constant 0 : index
    %get3A_13 = arith.constant 0 : index
    %get3A_14 = vector.load %arg2[%get3A_12, %get3A_13] : memref<2304x256xbf16, #tpu.memory_space<vmem>>, vector<2304x256xbf16>
    %dot_general3A = arith.constant dense<0.000000e+00> : vector<784x256xf32>
    %dot_general3A_15 = tpu.matmul %convert_element_type3A, %get3A_14, %dot_general3A {dimension_numbers = #tpu.dot_dimension_numbers<[1], [0], [0], [1], [0, 0, 1, 1], [], []>, transpose_lhs_hint = false} : vector<784x2304xbf16>, vector<2304x256xbf16>, vector<784x256xf32> -> vector<784x256xf32>
    %get3A_16 = arith.constant 0 : index
    %get3A_17 = arith.constant 0 : index
    %get3A_18 = vector.load %arg4[%get3A_16, %get3A_17] : memref<8x256xf32, #tpu.memory_space<vmem>>, vector<1x256xf32>
    %add3A_19 = vector.broadcast %get3A_18 : vector<1x256xf32> to vector<784x256xf32>
    %add3A_20 = arith.addf %dot_general3A_15, %add3A_19 : vector<784x256xf32>
    %swap3A = arith.constant 0 : index
    %swap3A_21 = arith.constant 0 : index
    %swap3A_22 = vector.load %arg5[%swap3A, %swap3A_21] : memref<784x256xf32, #tpu.memory_space<vmem>>, vector<784x256xf32>
    tpu.vector_store %arg5[%swap3A, %swap3A_21], %add3A_20 {strides = array<i32>} : memref<784x256xf32, #tpu.memory_space<vmem>>, vector<784x256xf32>,
    %eq3A = arith.constant 0 : i32
    %eq3A_23 = arith.cmpi eq, %arg0, %eq3A : i32
    %convert_element_type3A_24 = arith.extui %eq3A_23 : i1 to i32
    %cond3A = arith.constant 0 : i32
    %cond3A_25 = arith.cmpi ne, %convert_element_type3A_24, %cond3A : i32
    scf.if %cond3A_25 {
      %broadcast_in_dim3A_45 = arith.constant 0.000000e+00 : f32
      %broadcast_in_dim3A_46 = vector.broadcast %broadcast_in_dim3A_45 : f32 to vector<8x256xf32>
      %swap3A_47 = arith.constant 0 : index
      %swap3A_48 = arith.constant 0 : index
      %swap3A_49 = vector.load %arg6[%swap3A_47, %swap3A_48] : memref<8x256xf32, #tpu.memory_space<vmem>>, vector<8x256xf32>
      tpu.vector_store %arg6[%swap3A_47, %swap3A_48], %broadcast_in_dim3A_46 {strides = array<i32>} : memref<8x256xf32, #tpu.memory_space<vmem>>, vector<8x256xf32>,
    } else {
    }
    %get3A_26 = arith.constant 0 : index
    %get3A_27 = arith.constant 0 : index
    %get3A_28 = vector.load %arg6[%get3A_26, %get3A_27] : memref<8x256xf32, #tpu.memory_space<vmem>>, vector<1x256xf32>
    %reduce_sum3A = arith.constant dense<0.000000e+00> : vector<256xf32>
    %reduce_sum3A_29 = vector.multi_reduction <add>, %add3A_20, %reduce_sum3A [0] : vector<784x256xf32> to vector<256xf32>
    %broadcast_in_dim3A = vector.shape_cast %reduce_sum3A_29 : vector<256xf32> to vector<1x256xf32>
    %add3A_30 = arith.addf %get3A_28, %broadcast_in_dim3A : vector<1x256xf32>
    %swap3A_31 = arith.constant 0 : index
    %swap3A_32 = arith.constant 0 : index
    %swap3A_33 = vector.load %arg6[%swap3A_31, %swap3A_32] : memref<8x256xf32, #tpu.memory_space<vmem>>, vector<1x256xf32>
    tpu.vector_store %arg6[%swap3A_31, %swap3A_32], %add3A_30 {strides = array<i32>} : memref<8x256xf32, #tpu.memory_space<vmem>>, vector<1x256xf32>,
    %get3A_34 = arith.constant 1 : index
    %get3A_35 = arith.constant 0 : index
    %get3A_36 = vector.load %arg6[%get3A_34, %get3A_35] : memref<8x256xf32, #tpu.memory_space<vmem>>, vector<1x256xf32>
    %mul3A_37 = arith.mulf %add3A_20, %add3A_20 : vector<784x256xf32>
    %reduce_sum3A_38 = arith.constant dense<0.000000e+00> : vector<256xf32>
    %reduce_sum3A_39 = vector.multi_reduction <add>, %mul3A_37, %reduce_sum3A_38 [0] : vector<784x256xf32> to vector<256xf32>
    %broadcast_in_dim3A_40 = vector.shape_cast %reduce_sum3A_39 : vector<256xf32> to vector<1x256xf32>
    %add3A_41 = arith.addf %get3A_36, %broadcast_in_dim3A_40 : vector<1x256xf32>
    %swap3A_42 = arith.constant 1 : index
    %swap3A_43 = arith.constant 0 : index
    %swap3A_44 = vector.load %arg6[%swap3A_42, %swap3A_43] : memref<8x256xf32, #tpu.memory_space<vmem>>, vector<1x256xf32>
    tpu.vector_store %arg6[%swap3A_42, %swap3A_43], %add3A_41 {strides = array<i32>} : memref<8x256xf32, #tpu.memory_space<vmem>>, vector<1x256xf32>,
    return
  }
  func.func @transform_0(%arg0: i32) -> (i32, i32) {
    %c0_i32 = arith.constant 0 : i32
    %c0_i32_0 = arith.constant 0 : i32
    return %arg0, %c0_i32 : i32, i32
  }
  func.func @transform_1(%arg0: i32) -> (i32, i32) {
    %c0_i32 = arith.constant 0 : i32
    %c0_i32_0 = arith.constant 0 : i32
    %c0_i32_1 = arith.constant 0 : i32
    return %c0_i32, %c0_i32_0 : i32, i32
  }
  func.func @transform_2(%arg0: i32) -> (i32, i32) {
    %c0_i32 = arith.constant 0 : i32
    %c0_i32_0 = arith.constant 0 : i32
    %c0_i32_1 = arith.constant 0 : i32
    return %c0_i32, %c0_i32_0 : i32, i32
  }
  func.func @transform_3(%arg0: i32) -> (i32, i32) {
    %c0_i32 = arith.constant 0 : i32
    %c0_i32_0 = arith.constant 0 : i32
    %c0_i32_1 = arith.constant 0 : i32
    return %c0_i32, %c0_i32_0 : i32, i32
  }
  func.func @transform_4(%arg0: i32) -> (i32, i32) {
    %c0_i32 = arith.constant 0 : i32
    %c0_i32_0 = arith.constant 0 : i32
    return %arg0, %c0_i32 : i32, i32
  }
  func.func @transform_5(%arg0: i32) -> (i32, i32) {
    %c0_i32 = arith.constant 0 : i32
    %c0_i32_0 = arith.constant 0 : i32
    %c0_i32_1 = arith.constant 0 : i32
    return %c0_i32, %c0_i32_0 : i32, i32
  }
}

module attributes {stable_mosaic.version = 14 : i64} {
  func.func @_mm_body(%arg0: i32, %arg1: memref<784x256xf32, #tpu.memory_space<vmem>>, %arg2: memref<256x256xbf16, #tpu.memory_space<vmem>>, %arg3: memref<8x256xf32, #tpu.memory_space<vmem>>, %arg4: memref<8x256xf32, #tpu.memory_space<vmem>>, %arg5: memref<784x256xf32, #tpu.memory_space<vmem>>, %arg6: memref<784x256xf32, #tpu.memory_space<vmem>>, %arg7: memref<8x256xf32, #tpu.memory_space<vmem>>) attributes {dimension_semantics = [#tpu.dimension_semantics<arbitrary>], iteration_bounds = array<i64: 16>, scalar_prefetch = 0 : i64, scratch_operands = 0 : i64, tpu.core_type = #tpu.core_type<tc>, window_params = [{transform_indices = @transform_0, window_bounds = array<i64: 784, 256>}, {pipeline_mode = #tpu.pipeline_mode<synchronous>, transform_indices = @transform_1, window_bounds = array<i64: 256, 256>}, {pipeline_mode = #tpu.pipeline_mode<synchronous>, transform_indices = @transform_2, window_bounds = array<i64: 8, 256>}, {pipeline_mode = #tpu.pipeline_mode<synchronous>, transform_indices = @transform_3, window_bounds = array<i64: 8, 256>}, {transform_indices = @transform_4, window_bounds = array<i64: 784, 256>}, {transform_indices = @transform_5, window_bounds = array<i64: 784, 256>}, {pipeline_mode = #tpu.pipeline_mode<synchronous>, transform_indices = @transform_6, window_bounds = array<i64: 8, 256>}]} {
    %get3A = arith.constant 0 : index
    %get3A_0 = arith.constant 0 : index
    %get3A_1 = vector.load %arg1[%get3A, %get3A_0] : memref<784x256xf32, #tpu.memory_space<vmem>>, vector<784x256xf32>
    %get3A_2 = arith.constant 0 : index
    %get3A_3 = arith.constant 0 : index
    %get3A_4 = vector.load %arg3[%get3A_2, %get3A_3] : memref<8x256xf32, #tpu.memory_space<vmem>>, vector<1x256xf32>
    %mul3A = vector.broadcast %get3A_4 : vector<1x256xf32> to vector<784x256xf32>
    %mul3A_5 = arith.mulf %get3A_1, %mul3A : vector<784x256xf32>
    %get3A_6 = arith.constant 1 : index
    %get3A_7 = arith.constant 0 : index
    %get3A_8 = vector.load %arg3[%get3A_6, %get3A_7] : memref<8x256xf32, #tpu.memory_space<vmem>>, vector<1x256xf32>
    %add3A = vector.broadcast %get3A_8 : vector<1x256xf32> to vector<784x256xf32>
    %add3A_9 = arith.addf %mul3A_5, %add3A : vector<784x256xf32>
    %max3A = arith.constant 0.000000e+00 : f32
    %max3A_10 = vector.broadcast %max3A : f32 to vector<784x256xf32>
    %max3A_11 = arith.maximumf %add3A_9, %max3A_10 : vector<784x256xf32>
    %convert_element_type3A = arith.truncf %max3A_11 : vector<784x256xf32> to vector<784x256xbf16>
    %get3A_12 = arith.constant 0 : index
    %get3A_13 = arith.constant 0 : index
    %get3A_14 = vector.load %arg2[%get3A_12, %get3A_13] : memref<256x256xbf16, #tpu.memory_space<vmem>>, vector<256x256xbf16>
    %dot_general3A = arith.constant dense<0.000000e+00> : vector<784x256xf32>
    %dot_general3A_15 = tpu.matmul %convert_element_type3A, %get3A_14, %dot_general3A {dimension_numbers = #tpu.dot_dimension_numbers<[1], [0], [0], [1], [0, 0, 1, 1], [], []>, transpose_lhs_hint = false} : vector<784x256xbf16>, vector<256x256xbf16>, vector<784x256xf32> -> vector<784x256xf32>
    %get3A_16 = arith.constant 0 : index
    %get3A_17 = arith.constant 0 : index
    %get3A_18 = vector.load %arg4[%get3A_16, %get3A_17] : memref<8x256xf32, #tpu.memory_space<vmem>>, vector<1x256xf32>
    %add3A_19 = vector.broadcast %get3A_18 : vector<1x256xf32> to vector<784x256xf32>
    %add3A_20 = arith.addf %dot_general3A_15, %add3A_19 : vector<784x256xf32>
    %get3A_21 = arith.constant 0 : index
    %get3A_22 = arith.constant 0 : index
    %get3A_23 = vector.load %arg5[%get3A_21, %get3A_22] : memref<784x256xf32, #tpu.memory_space<vmem>>, vector<784x256xf32>
    %add3A_24 = arith.addf %get3A_23, %add3A_20 : vector<784x256xf32>
    %swap3A = arith.constant 0 : index
    %swap3A_25 = arith.constant 0 : index
    %swap3A_26 = vector.load %arg6[%swap3A, %swap3A_25] : memref<784x256xf32, #tpu.memory_space<vmem>>, vector<784x256xf32>
    tpu.vector_store %arg6[%swap3A, %swap3A_25], %add3A_24 {strides = array<i32>} : memref<784x256xf32, #tpu.memory_space<vmem>>, vector<784x256xf32>,
    %eq3A = arith.constant 0 : i32
    %eq3A_27 = arith.cmpi eq, %arg0, %eq3A : i32
    %convert_element_type3A_28 = arith.extui %eq3A_27 : i1 to i32
    %cond3A = arith.constant 0 : i32
    %cond3A_29 = arith.cmpi ne, %convert_element_type3A_28, %cond3A : i32
    scf.if %cond3A_29 {
      %broadcast_in_dim3A_49 = arith.constant 0.000000e+00 : f32
      %broadcast_in_dim3A_50 = vector.broadcast %broadcast_in_dim3A_49 : f32 to vector<8x256xf32>
      %swap3A_51 = arith.constant 0 : index
      %swap3A_52 = arith.constant 0 : index
      %swap3A_53 = vector.load %arg7[%swap3A_51, %swap3A_52] : memref<8x256xf32, #tpu.memory_space<vmem>>, vector<8x256xf32>
      tpu.vector_store %arg7[%swap3A_51, %swap3A_52], %broadcast_in_dim3A_50 {strides = array<i32>} : memref<8x256xf32, #tpu.memory_space<vmem>>, vector<8x256xf32>,
    } else {
    }
    %get3A_30 = arith.constant 0 : index
    %get3A_31 = arith.constant 0 : index
    %get3A_32 = vector.load %arg7[%get3A_30, %get3A_31] : memref<8x256xf32, #tpu.memory_space<vmem>>, vector<1x256xf32>
    %reduce_sum3A = arith.constant dense<0.000000e+00> : vector<256xf32>
    %reduce_sum3A_33 = vector.multi_reduction <add>, %add3A_24, %reduce_sum3A [0] : vector<784x256xf32> to vector<256xf32>
    %broadcast_in_dim3A = vector.shape_cast %reduce_sum3A_33 : vector<256xf32> to vector<1x256xf32>
    %add3A_34 = arith.addf %get3A_32, %broadcast_in_dim3A : vector<1x256xf32>
    %swap3A_35 = arith.constant 0 : index
    %swap3A_36 = arith.constant 0 : index
    %swap3A_37 = vector.load %arg7[%swap3A_35, %swap3A_36] : memref<8x256xf32, #tpu.memory_space<vmem>>, vector<1x256xf32>
    tpu.vector_store %arg7[%swap3A_35, %swap3A_36], %add3A_34 {strides = array<i32>} : memref<8x256xf32, #tpu.memory_space<vmem>>, vector<1x256xf32>,
    %get3A_38 = arith.constant 1 : index
    %get3A_39 = arith.constant 0 : index
    %get3A_40 = vector.load %arg7[%get3A_38, %get3A_39] : memref<8x256xf32, #tpu.memory_space<vmem>>, vector<1x256xf32>
    %mul3A_41 = arith.mulf %add3A_24, %add3A_24 : vector<784x256xf32>
    %reduce_sum3A_42 = arith.constant dense<0.000000e+00> : vector<256xf32>
    %reduce_sum3A_43 = vector.multi_reduction <add>, %mul3A_41, %reduce_sum3A_42 [0] : vector<784x256xf32> to vector<256xf32>
    %broadcast_in_dim3A_44 = vector.shape_cast %reduce_sum3A_43 : vector<256xf32> to vector<1x256xf32>
    %add3A_45 = arith.addf %get3A_40, %broadcast_in_dim3A_44 : vector<1x256xf32>
    %swap3A_46 = arith.constant 1 : index
    %swap3A_47 = arith.constant 0 : index
    %swap3A_48 = vector.load %arg7[%swap3A_46, %swap3A_47] : memref<8x256xf32, #tpu.memory_space<vmem>>, vector<1x256xf32>
    tpu.vector_store %arg7[%swap3A_46, %swap3A_47], %add3A_45 {strides = array<i32>} : memref<8x256xf32, #tpu.memory_space<vmem>>, vector<1x256xf32>,
    return
  }
  func.func @transform_0(%arg0: i32) -> (i32, i32) {
    %c0_i32 = arith.constant 0 : i32
    %c0_i32_0 = arith.constant 0 : i32
    return %arg0, %c0_i32 : i32, i32
  }
  func.func @transform_1(%arg0: i32) -> (i32, i32) {
    %c0_i32 = arith.constant 0 : i32
    %c0_i32_0 = arith.constant 0 : i32
    %c0_i32_1 = arith.constant 0 : i32
    return %c0_i32, %c0_i32_0 : i32, i32
  }
  func.func @transform_2(%arg0: i32) -> (i32, i32) {
    %c0_i32 = arith.constant 0 : i32
    %c0_i32_0 = arith.constant 0 : i32
    %c0_i32_1 = arith.constant 0 : i32
    return %c0_i32, %c0_i32_0 : i32, i32
  }
  func.func @transform_3(%arg0: i32) -> (i32, i32) {
    %c0_i32 = arith.constant 0 : i32
    %c0_i32_0 = arith.constant 0 : i32
    %c0_i32_1 = arith.constant 0 : i32
    return %c0_i32, %c0_i32_0 : i32, i32
  }
  func.func @transform_4(%arg0: i32) -> (i32, i32) {
    %c0_i32 = arith.constant 0 : i32
    %c0_i32_0 = arith.constant 0 : i32
    return %arg0, %c0_i32 : i32, i32
  }
  func.func @transform_5(%arg0: i32) -> (i32, i32) {
    %c0_i32 = arith.constant 0 : i32
    %c0_i32_0 = arith.constant 0 : i32
    return %arg0, %c0_i32 : i32, i32
  }
  func.func @transform_6(%arg0: i32) -> (i32, i32) {
    %c0_i32 = arith.constant 0 : i32
    %c0_i32_0 = arith.constant 0 : i32
    %c0_i32_1 = arith.constant 0 : i32
    return %c0_i32, %c0_i32_0 : i32, i32
  }
}

module attributes {stable_mosaic.version = 14 : i64} {
  func.func @_mm_body(%arg0: i32, %arg1: memref<784x256xf32, #tpu.memory_space<vmem>>, %arg2: memref<256x256xbf16, #tpu.memory_space<vmem>>, %arg3: memref<8x256xf32, #tpu.memory_space<vmem>>, %arg4: memref<8x256xf32, #tpu.memory_space<vmem>>, %arg5: memref<784x256xf32, #tpu.memory_space<vmem>>, %arg6: memref<784x256xf32, #tpu.memory_space<vmem>>, %arg7: memref<8x256xf32, #tpu.memory_space<vmem>>) attributes {dimension_semantics = [#tpu.dimension_semantics<arbitrary>], iteration_bounds = array<i64: 16>, scalar_prefetch = 0 : i64, scratch_operands = 0 : i64, tpu.core_type = #tpu.core_type<tc>, window_params = [{transform_indices = @transform_0, window_bounds = array<i64: 784, 256>}, {pipeline_mode = #tpu.pipeline_mode<synchronous>, transform_indices = @transform_1, window_bounds = array<i64: 256, 256>}, {pipeline_mode = #tpu.pipeline_mode<synchronous>, transform_indices = @transform_2, window_bounds = array<i64: 8, 256>}, {pipeline_mode = #tpu.pipeline_mode<synchronous>, transform_indices = @transform_3, window_bounds = array<i64: 8, 256>}, {transform_indices = @transform_4, window_bounds = array<i64: 784, 256>}, {transform_indices = @transform_5, window_bounds = array<i64: 784, 256>}, {pipeline_mode = #tpu.pipeline_mode<synchronous>, transform_indices = @transform_6, window_bounds = array<i64: 8, 256>}]} {
    %get3A = arith.constant 0 : index
    %get3A_0 = arith.constant 0 : index
    %get3A_1 = vector.load %arg1[%get3A, %get3A_0] : memref<784x256xf32, #tpu.memory_space<vmem>>, vector<784x256xf32>
    %get3A_2 = arith.constant 0 : index
    %get3A_3 = arith.constant 0 : index
    %get3A_4 = vector.load %arg3[%get3A_2, %get3A_3] : memref<8x256xf32, #tpu.memory_space<vmem>>, vector<1x256xf32>
    %mul3A = vector.broadcast %get3A_4 : vector<1x256xf32> to vector<784x256xf32>
    %mul3A_5 = arith.mulf %get3A_1, %mul3A : vector<784x256xf32>
    %get3A_6 = arith.constant 1 : index
    %get3A_7 = arith.constant 0 : index
    %get3A_8 = vector.load %arg3[%get3A_6, %get3A_7] : memref<8x256xf32, #tpu.memory_space<vmem>>, vector<1x256xf32>
    %add3A = vector.broadcast %get3A_8 : vector<1x256xf32> to vector<784x256xf32>
    %add3A_9 = arith.addf %mul3A_5, %add3A : vector<784x256xf32>
    %max3A = arith.constant 0.000000e+00 : f32
    %max3A_10 = vector.broadcast %max3A : f32 to vector<784x256xf32>
    %max3A_11 = arith.maximumf %add3A_9, %max3A_10 : vector<784x256xf32>
    %convert_element_type3A = arith.truncf %max3A_11 : vector<784x256xf32> to vector<784x256xbf16>
    %get3A_12 = arith.constant 0 : index
    %get3A_13 = arith.constant 0 : index
    %get3A_14 = vector.load %arg2[%get3A_12, %get3A_13] : memref<256x256xbf16, #tpu.memory_space<vmem>>, vector<256x256xbf16>
    %dot_general3A = arith.constant dense<0.000000e+00> : vector<784x256xf32>
    %dot_general3A_15 = tpu.matmul %convert_element_type3A, %get3A_14, %dot_general3A {dimension_numbers = #tpu.dot_dimension_numbers<[1], [0], [0], [1], [0, 0, 1, 1], [], []>, transpose_lhs_hint = false} : vector<784x256xbf16>, vector<256x256xbf16>, vector<784x256xf32> -> vector<784x256xf32>
    %get3A_16 = arith.constant 0 : index
    %get3A_17 = arith.constant 0 : index
    %get3A_18 = vector.load %arg4[%get3A_16, %get3A_17] : memref<8x256xf32, #tpu.memory_space<vmem>>, vector<1x256xf32>
    %add3A_19 = vector.broadcast %get3A_18 : vector<1x256xf32> to vector<784x256xf32>
    %add3A_20 = arith.addf %dot_general3A_15, %add3A_19 : vector<784x256xf32>
    %get3A_21 = arith.constant 0 : index
    %get3A_22 = arith.constant 0 : index
    %get3A_23 = vector.load %arg5[%get3A_21, %get3A_22] : memref<784x256xf32, #tpu.memory_space<vmem>>, vector<784x256xf32>
    %add3A_24 = arith.addf %get3A_23, %add3A_20 : vector<784x256xf32>
    %max3A_25 = arith.constant 0.000000e+00 : f32
    %max3A_26 = vector.broadcast %max3A_25 : f32 to vector<784x256xf32>
    %max3A_27 = arith.maximumf %add3A_24, %max3A_26 : vector<784x256xf32>
    %swap3A = arith.constant 0 : index
    %swap3A_28 = arith.constant 0 : index
    %swap3A_29 = vector.load %arg6[%swap3A, %swap3A_28] : memref<784x256xf32, #tpu.memory_space<vmem>>, vector<784x256xf32>
    tpu.vector_store %arg6[%swap3A, %swap3A_28], %max3A_27 {strides = array<i32>} : memref<784x256xf32, #tpu.memory_space<vmem>>, vector<784x256xf32>,
    %eq3A = arith.constant 0 : i32
    %eq3A_30 = arith.cmpi eq, %arg0, %eq3A : i32
    %convert_element_type3A_31 = arith.extui %eq3A_30 : i1 to i32
    %cond3A = arith.constant 0 : i32
    %cond3A_32 = arith.cmpi ne, %convert_element_type3A_31, %cond3A : i32
    scf.if %cond3A_32 {
      %broadcast_in_dim3A_52 = arith.constant 0.000000e+00 : f32
      %broadcast_in_dim3A_53 = vector.broadcast %broadcast_in_dim3A_52 : f32 to vector<8x256xf32>
      %swap3A_54 = arith.constant 0 : index
      %swap3A_55 = arith.constant 0 : index
      %swap3A_56 = vector.load %arg7[%swap3A_54, %swap3A_55] : memref<8x256xf32, #tpu.memory_space<vmem>>, vector<8x256xf32>
      tpu.vector_store %arg7[%swap3A_54, %swap3A_55], %broadcast_in_dim3A_53 {strides = array<i32>} : memref<8x256xf32, #tpu.memory_space<vmem>>, vector<8x256xf32>,
    } else {
    }
    %get3A_33 = arith.constant 0 : index
    %get3A_34 = arith.constant 0 : index
    %get3A_35 = vector.load %arg7[%get3A_33, %get3A_34] : memref<8x256xf32, #tpu.memory_space<vmem>>, vector<1x256xf32>
    %reduce_sum3A = arith.constant dense<0.000000e+00> : vector<256xf32>
    %reduce_sum3A_36 = vector.multi_reduction <add>, %max3A_27, %reduce_sum3A [0] : vector<784x256xf32> to vector<256xf32>
    %broadcast_in_dim3A = vector.shape_cast %reduce_sum3A_36 : vector<256xf32> to vector<1x256xf32>
    %add3A_37 = arith.addf %get3A_35, %broadcast_in_dim3A : vector<1x256xf32>
    %swap3A_38 = arith.constant 0 : index
    %swap3A_39 = arith.constant 0 : index
    %swap3A_40 = vector.load %arg7[%swap3A_38, %swap3A_39] : memref<8x256xf32, #tpu.memory_space<vmem>>, vector<1x256xf32>
    tpu.vector_store %arg7[%swap3A_38, %swap3A_39], %add3A_37 {strides = array<i32>} : memref<8x256xf32, #tpu.memory_space<vmem>>, vector<1x256xf32>,
    %get3A_41 = arith.constant 1 : index
    %get3A_42 = arith.constant 0 : index
    %get3A_43 = vector.load %arg7[%get3A_41, %get3A_42] : memref<8x256xf32, #tpu.memory_space<vmem>>, vector<1x256xf32>
    %mul3A_44 = arith.mulf %max3A_27, %max3A_27 : vector<784x256xf32>
    %reduce_sum3A_45 = arith.constant dense<0.000000e+00> : vector<256xf32>
    %reduce_sum3A_46 = vector.multi_reduction <add>, %mul3A_44, %reduce_sum3A_45 [0] : vector<784x256xf32> to vector<256xf32>
    %broadcast_in_dim3A_47 = vector.shape_cast %reduce_sum3A_46 : vector<256xf32> to vector<1x256xf32>
    %add3A_48 = arith.addf %get3A_43, %broadcast_in_dim3A_47 : vector<1x256xf32>
    %swap3A_49 = arith.constant 1 : index
    %swap3A_50 = arith.constant 0 : index
    %swap3A_51 = vector.load %arg7[%swap3A_49, %swap3A_50] : memref<8x256xf32, #tpu.memory_space<vmem>>, vector<1x256xf32>
    tpu.vector_store %arg7[%swap3A_49, %swap3A_50], %add3A_48 {strides = array<i32>} : memref<8x256xf32, #tpu.memory_space<vmem>>, vector<1x256xf32>,
    return
  }
  func.func @transform_0(%arg0: i32) -> (i32, i32) {
    %c0_i32 = arith.constant 0 : i32
    %c0_i32_0 = arith.constant 0 : i32
    return %arg0, %c0_i32 : i32, i32
  }
  func.func @transform_1(%arg0: i32) -> (i32, i32) {
    %c0_i32 = arith.constant 0 : i32
    %c0_i32_0 = arith.constant 0 : i32
    %c0_i32_1 = arith.constant 0 : i32
    return %c0_i32, %c0_i32_0 : i32, i32
  }
  func.func @transform_2(%arg0: i32) -> (i32, i32) {
    %c0_i32 = arith.constant 0 : i32
    %c0_i32_0 = arith.constant 0 : i32
    %c0_i32_1 = arith.constant 0 : i32
    return %c0_i32, %c0_i32_0 : i32, i32
  }
  func.func @transform_3(%arg0: i32) -> (i32, i32) {
    %c0_i32 = arith.constant 0 : i32
    %c0_i32_0 = arith.constant 0 : i32
    %c0_i32_1 = arith.constant 0 : i32
    return %c0_i32, %c0_i32_0 : i32, i32
  }
  func.func @transform_4(%arg0: i32) -> (i32, i32) {
    %c0_i32 = arith.constant 0 : i32
    %c0_i32_0 = arith.constant 0 : i32
    return %arg0, %c0_i32 : i32, i32
  }
  func.func @transform_5(%arg0: i32) -> (i32, i32) {
    %c0_i32 = arith.constant 0 : i32
    %c0_i32_0 = arith.constant 0 : i32
    return %arg0, %c0_i32 : i32, i32
  }
  func.func @transform_6(%arg0: i32) -> (i32, i32) {
    %c0_i32 = arith.constant 0 : i32
    %c0_i32_0 = arith.constant 0 : i32
    %c0_i32_1 = arith.constant 0 : i32
    return %c0_i32, %c0_i32_0 : i32, i32
  }
}

module attributes {stable_mosaic.version = 14 : i64} {
  func.func @_mm_body(%arg0: i32, %arg1: memref<1568x1024xf32, #tpu.memory_space<vmem>>, %arg2: memref<1024x256xbf16, #tpu.memory_space<vmem>>, %arg3: memref<8x1024xf32, #tpu.memory_space<vmem>>, %arg4: memref<8x256xf32, #tpu.memory_space<vmem>>, %arg5: memref<1568x256xf32, #tpu.memory_space<vmem>>, %arg6: memref<8x256xf32, #tpu.memory_space<vmem>>) attributes {dimension_semantics = [#tpu.dimension_semantics<arbitrary>], iteration_bounds = array<i64: 8>, scalar_prefetch = 0 : i64, scratch_operands = 0 : i64, tpu.core_type = #tpu.core_type<tc>, window_params = [{transform_indices = @transform_0, window_bounds = array<i64: 1568, 1024>}, {pipeline_mode = #tpu.pipeline_mode<synchronous>, transform_indices = @transform_1, window_bounds = array<i64: 1024, 256>}, {pipeline_mode = #tpu.pipeline_mode<synchronous>, transform_indices = @transform_2, window_bounds = array<i64: 8, 1024>}, {pipeline_mode = #tpu.pipeline_mode<synchronous>, transform_indices = @transform_3, window_bounds = array<i64: 8, 256>}, {transform_indices = @transform_4, window_bounds = array<i64: 1568, 256>}, {pipeline_mode = #tpu.pipeline_mode<synchronous>, transform_indices = @transform_5, window_bounds = array<i64: 8, 256>}]} {
    %get3A = arith.constant 0 : index
    %get3A_0 = arith.constant 0 : index
    %get3A_1 = vector.load %arg1[%get3A, %get3A_0] : memref<1568x1024xf32, #tpu.memory_space<vmem>>, vector<1568x1024xf32>
    %get3A_2 = arith.constant 0 : index
    %get3A_3 = arith.constant 0 : index
    %get3A_4 = vector.load %arg3[%get3A_2, %get3A_3] : memref<8x1024xf32, #tpu.memory_space<vmem>>, vector<1x1024xf32>
    %mul3A = vector.broadcast %get3A_4 : vector<1x1024xf32> to vector<1568x1024xf32>
    %mul3A_5 = arith.mulf %get3A_1, %mul3A : vector<1568x1024xf32>
    %get3A_6 = arith.constant 1 : index
    %get3A_7 = arith.constant 0 : index
    %get3A_8 = vector.load %arg3[%get3A_6, %get3A_7] : memref<8x1024xf32, #tpu.memory_space<vmem>>, vector<1x1024xf32>
    %add3A = vector.broadcast %get3A_8 : vector<1x1024xf32> to vector<1568x1024xf32>
    %add3A_9 = arith.addf %mul3A_5, %add3A : vector<1568x1024xf32>
    %convert_element_type3A = arith.truncf %add3A_9 : vector<1568x1024xf32> to vector<1568x1024xbf16>
    %get3A_10 = arith.constant 0 : index
    %get3A_11 = arith.constant 0 : index
    %get3A_12 = vector.load %arg2[%get3A_10, %get3A_11] : memref<1024x256xbf16, #tpu.memory_space<vmem>>, vector<1024x256xbf16>
    %dot_general3A = arith.constant dense<0.000000e+00> : vector<1568x256xf32>
    %dot_general3A_13 = tpu.matmul %convert_element_type3A, %get3A_12, %dot_general3A {dimension_numbers = #tpu.dot_dimension_numbers<[1], [0], [0], [1], [0, 0, 1, 1], [], []>, transpose_lhs_hint = false} : vector<1568x1024xbf16>, vector<1024x256xbf16>, vector<1568x256xf32> -> vector<1568x256xf32>
    %get3A_14 = arith.constant 0 : index
    %get3A_15 = arith.constant 0 : index
    %get3A_16 = vector.load %arg4[%get3A_14, %get3A_15] : memref<8x256xf32, #tpu.memory_space<vmem>>, vector<1x256xf32>
    %add3A_17 = vector.broadcast %get3A_16 : vector<1x256xf32> to vector<1568x256xf32>
    %add3A_18 = arith.addf %dot_general3A_13, %add3A_17 : vector<1568x256xf32>
    %max3A = arith.constant 0.000000e+00 : f32
    %max3A_19 = vector.broadcast %max3A : f32 to vector<1568x256xf32>
    %max3A_20 = arith.maximumf %add3A_18, %max3A_19 : vector<1568x256xf32>
    %swap3A = arith.constant 0 : index
    %swap3A_21 = arith.constant 0 : index
    %swap3A_22 = vector.load %arg5[%swap3A, %swap3A_21] : memref<1568x256xf32, #tpu.memory_space<vmem>>, vector<1568x256xf32>
    tpu.vector_store %arg5[%swap3A, %swap3A_21], %max3A_20 {strides = array<i32>} : memref<1568x256xf32, #tpu.memory_space<vmem>>, vector<1568x256xf32>,
    %eq3A = arith.constant 0 : i32
    %eq3A_23 = arith.cmpi eq, %arg0, %eq3A : i32
    %convert_element_type3A_24 = arith.extui %eq3A_23 : i1 to i32
    %cond3A = arith.constant 0 : i32
    %cond3A_25 = arith.cmpi ne, %convert_element_type3A_24, %cond3A : i32
    scf.if %cond3A_25 {
      %broadcast_in_dim3A_45 = arith.constant 0.000000e+00 : f32
      %broadcast_in_dim3A_46 = vector.broadcast %broadcast_in_dim3A_45 : f32 to vector<8x256xf32>
      %swap3A_47 = arith.constant 0 : index
      %swap3A_48 = arith.constant 0 : index
      %swap3A_49 = vector.load %arg6[%swap3A_47, %swap3A_48] : memref<8x256xf32, #tpu.memory_space<vmem>>, vector<8x256xf32>
      tpu.vector_store %arg6[%swap3A_47, %swap3A_48], %broadcast_in_dim3A_46 {strides = array<i32>} : memref<8x256xf32, #tpu.memory_space<vmem>>, vector<8x256xf32>,
    } else {
    }
    %get3A_26 = arith.constant 0 : index
    %get3A_27 = arith.constant 0 : index
    %get3A_28 = vector.load %arg6[%get3A_26, %get3A_27] : memref<8x256xf32, #tpu.memory_space<vmem>>, vector<1x256xf32>
    %reduce_sum3A = arith.constant dense<0.000000e+00> : vector<256xf32>
    %reduce_sum3A_29 = vector.multi_reduction <add>, %max3A_20, %reduce_sum3A [0] : vector<1568x256xf32> to vector<256xf32>
    %broadcast_in_dim3A = vector.shape_cast %reduce_sum3A_29 : vector<256xf32> to vector<1x256xf32>
    %add3A_30 = arith.addf %get3A_28, %broadcast_in_dim3A : vector<1x256xf32>
    %swap3A_31 = arith.constant 0 : index
    %swap3A_32 = arith.constant 0 : index
    %swap3A_33 = vector.load %arg6[%swap3A_31, %swap3A_32] : memref<8x256xf32, #tpu.memory_space<vmem>>, vector<1x256xf32>
    tpu.vector_store %arg6[%swap3A_31, %swap3A_32], %add3A_30 {strides = array<i32>} : memref<8x256xf32, #tpu.memory_space<vmem>>, vector<1x256xf32>,
    %get3A_34 = arith.constant 1 : index
    %get3A_35 = arith.constant 0 : index
    %get3A_36 = vector.load %arg6[%get3A_34, %get3A_35] : memref<8x256xf32, #tpu.memory_space<vmem>>, vector<1x256xf32>
    %mul3A_37 = arith.mulf %max3A_20, %max3A_20 : vector<1568x256xf32>
    %reduce_sum3A_38 = arith.constant dense<0.000000e+00> : vector<256xf32>
    %reduce_sum3A_39 = vector.multi_reduction <add>, %mul3A_37, %reduce_sum3A_38 [0] : vector<1568x256xf32> to vector<256xf32>
    %broadcast_in_dim3A_40 = vector.shape_cast %reduce_sum3A_39 : vector<256xf32> to vector<1x256xf32>
    %add3A_41 = arith.addf %get3A_36, %broadcast_in_dim3A_40 : vector<1x256xf32>
    %swap3A_42 = arith.constant 1 : index
    %swap3A_43 = arith.constant 0 : index
    %swap3A_44 = vector.load %arg6[%swap3A_42, %swap3A_43] : memref<8x256xf32, #tpu.memory_space<vmem>>, vector<1x256xf32>
    tpu.vector_store %arg6[%swap3A_42, %swap3A_43], %add3A_41 {strides = array<i32>} : memref<8x256xf32, #tpu.memory_space<vmem>>, vector<1x256xf32>,
    return
  }
  func.func @transform_0(%arg0: i32) -> (i32, i32) {
    %c0_i32 = arith.constant 0 : i32
    %c0_i32_0 = arith.constant 0 : i32
    return %arg0, %c0_i32 : i32, i32
  }
  func.func @transform_1(%arg0: i32) -> (i32, i32) {
    %c0_i32 = arith.constant 0 : i32
    %c0_i32_0 = arith.constant 0 : i32
    %c0_i32_1 = arith.constant 0 : i32
    return %c0_i32, %c0_i32_0 : i32, i32
  }
  func.func @transform_2(%arg0: i32) -> (i32, i32) {
    %c0_i32 = arith.constant 0 : i32
    %c0_i32_0 = arith.constant 0 : i32
    %c0_i32_1 = arith.constant 0 : i32
    return %c0_i32, %c0_i32_0 : i32, i32
  }
  func.func @transform_3(%arg0: i32) -> (i32, i32) {
    %c0_i32 = arith.constant 0 : i32
    %c0_i32_0 = arith.constant 0 : i32
    %c0_i32_1 = arith.constant 0 : i32
    return %c0_i32, %c0_i32_0 : i32, i32
  }
  func.func @transform_4(%arg0: i32) -> (i32, i32) {
    %c0_i32 = arith.constant 0 : i32
    %c0_i32_0 = arith.constant 0 : i32
    return %arg0, %c0_i32 : i32, i32
  }
  func.func @transform_5(%arg0: i32) -> (i32, i32) {
    %c0_i32 = arith.constant 0 : i32
    %c0_i32_0 = arith.constant 0 : i32
    %c0_i32_1 = arith.constant 0 : i32
    return %c0_i32, %c0_i32_0 : i32, i32
  }
}

module attributes {stable_mosaic.version = 14 : i64} {
  func.func @_mm_body(%arg0: i32, %arg1: memref<1568x2304xf32, #tpu.memory_space<vmem>>, %arg2: memref<2304x12xbf16, #tpu.memory_space<vmem>>, %arg3: memref<8x2304xf32, #tpu.memory_space<vmem>>, %arg4: memref<8x12xf32, #tpu.memory_space<vmem>>, %arg5: memref<1568x12xf32, #tpu.memory_space<vmem>>) attributes {dimension_semantics = [#tpu.dimension_semantics<arbitrary>], iteration_bounds = array<i64: 32>, scalar_prefetch = 0 : i64, scratch_operands = 0 : i64, tpu.core_type = #tpu.core_type<tc>, window_params = [{transform_indices = @transform_0, window_bounds = array<i64: 1568, 2304>}, {pipeline_mode = #tpu.pipeline_mode<synchronous>, transform_indices = @transform_1, window_bounds = array<i64: 2304, 12>}, {pipeline_mode = #tpu.pipeline_mode<synchronous>, transform_indices = @transform_2, window_bounds = array<i64: 8, 2304>}, {pipeline_mode = #tpu.pipeline_mode<synchronous>, transform_indices = @transform_3, window_bounds = array<i64: 8, 12>}, {transform_indices = @transform_4, window_bounds = array<i64: 1568, 12>}]} {
    %get3A = arith.constant 0 : index
    %get3A_0 = arith.constant 0 : index
    %get3A_1 = vector.load %arg1[%get3A, %get3A_0] : memref<1568x2304xf32, #tpu.memory_space<vmem>>, vector<1568x2304xf32>
    %get3A_2 = arith.constant 0 : index
    %get3A_3 = arith.constant 0 : index
    %get3A_4 = vector.load %arg3[%get3A_2, %get3A_3] : memref<8x2304xf32, #tpu.memory_space<vmem>>, vector<1x2304xf32>
    %mul3A = vector.broadcast %get3A_4 : vector<1x2304xf32> to vector<1568x2304xf32>
    %mul3A_5 = arith.mulf %get3A_1, %mul3A : vector<1568x2304xf32>
    %get3A_6 = arith.constant 1 : index
    %get3A_7 = arith.constant 0 : index
    %get3A_8 = vector.load %arg3[%get3A_6, %get3A_7] : memref<8x2304xf32, #tpu.memory_space<vmem>>, vector<1x2304xf32>
    %add3A = vector.broadcast %get3A_8 : vector<1x2304xf32> to vector<1568x2304xf32>
    %add3A_9 = arith.addf %mul3A_5, %add3A : vector<1568x2304xf32>
    %convert_element_type3A = arith.truncf %add3A_9 : vector<1568x2304xf32> to vector<1568x2304xbf16>
    %get3A_10 = arith.constant 0 : index
    %get3A_11 = arith.constant 0 : index
    %get3A_12 = vector.load %arg2[%get3A_10, %get3A_11] : memref<2304x12xbf16, #tpu.memory_space<vmem>>, vector<2304x12xbf16>
    %dot_general3A = arith.constant dense<0.000000e+00> : vector<1568x12xf32>
    %dot_general3A_13 = tpu.matmul %convert_element_type3A, %get3A_12, %dot_general3A {dimension_numbers = #tpu.dot_dimension_numbers<[1], [0], [0], [1], [0, 0, 1, 1], [], []>, transpose_lhs_hint = false} : vector<1568x2304xbf16>, vector<2304x12xbf16>, vector<1568x12xf32> -> vector<1568x12xf32>
    %get3A_14 = arith.constant 0 : index
    %get3A_15 = arith.constant 0 : index
    %get3A_16 = vector.load %arg4[%get3A_14, %get3A_15] : memref<8x12xf32, #tpu.memory_space<vmem>>, vector<1x12xf32>
    %add3A_17 = vector.broadcast %get3A_16 : vector<1x12xf32> to vector<1568x12xf32>
    %add3A_18 = arith.addf %dot_general3A_13, %add3A_17 : vector<1568x12xf32>
    %tanh3A = math.tanh %add3A_18 : vector<1568x12xf32>
    %swap3A = arith.constant 0 : index
    %swap3A_19 = arith.constant 0 : index
    %swap3A_20 = vector.load %arg5[%swap3A, %swap3A_19] : memref<1568x12xf32, #tpu.memory_space<vmem>>, vector<1568x12xf32>
    tpu.vector_store %arg5[%swap3A, %swap3A_19], %tanh3A {strides = array<i32>} : memref<1568x12xf32, #tpu.memory_space<vmem>>, vector<1568x12xf32>,
    return
  }
  func.func @transform_0(%arg0: i32) -> (i32, i32) {
    %c0_i32 = arith.constant 0 : i32
    %c0_i32_0 = arith.constant 0 : i32
    return %arg0, %c0_i32 : i32, i32
  }
  func.func @transform_1(%arg0: i32) -> (i32, i32) {
    %c0_i32 = arith.constant 0 : i32
    %c0_i32_0 = arith.constant 0 : i32
    %c0_i32_1 = arith.constant 0 : i32
    return %c0_i32, %c0_i32_0 : i32, i32
  }
  func.func @transform_2(%arg0: i32) -> (i32, i32) {
    %c0_i32 = arith.constant 0 : i32
    %c0_i32_0 = arith.constant 0 : i32
    %c0_i32_1 = arith.constant 0 : i32
    return %c0_i32, %c0_i32_0 : i32, i32
  }
  func.func @transform_3(%arg0: i32) -> (i32, i32) {
    %c0_i32 = arith.constant 0 : i32
    %c0_i32_0 = arith.constant 0 : i32
    %c0_i32_1 = arith.constant 0 : i32
    return %c0_i32, %c0_i32_0 : i32, i32
  }
  func.func @transform_4(%arg0: i32) -> (i32, i32) {
    %c0_i32 = arith.constant 0 : i32
    %c0_i32_0 = arith.constant 0 : i32
    return %arg0, %c0_i32 : i32, i32
  }
}

</mosaic_0001>

<sc_bundles>
// kernel: sparse-core-data-format-call.cloned.1.call-start
scs
called_computation_lowered:
.L_overlay_start_0:
0x0: {  	s1 =	sld [smem:$0x3FD9]  }
0x1: {  	s2 =	sld [smem:$0x3FFE];
	_ =	sdelay $0x1  }
0x2: {  	s3 =	srdreg.scid  }
0x3: {  	s0 =	sand.u32 $0x1, s3  }
0x4: {  	s17 =	sshll.u32 s0, $0xA;
	s1 =	sadd.s32 s2, s1  }
0x5: {  	s1 =	sadd.s32 s1, s17  }
0x6: {  	[smem:$0x3F98] =	sst s1  }
0x7: {  	_ = 	snop  }
0x8: {  	(tm) =	ssettm $0x1  }
0x9: {  	s18 =	sld [smem:$0x3FFB];
	_ =	sdelay $0x3  }
0xa: {  	_ =	strace s18  }
0xb: {  	s1 =	sld [smem:$0x3FFC];
	_ =	sdelay $0x3  }
0xc: {  	_ =	strace s1  }
0xd: {  	s1 =	sld [smem:$0x3FFD];
	_ =	sdelay $0x3  }
0xe: {  	_ =	strace s1  }
0xf: {  	_ =	strace $0x8FFFFFFF  }
0x10: {  	s19 =	sld [smem:$0x3FDB];
	_ =	sdelay $0x1  }
0x11: {  	s20 =	simm.s32 $_scs_section_size  }
0x12: {  	s4 =	simm.s32 $_size__tile_overlayer_lowered;
	s5 =	simm.s32 $_tile_overlayer_lowered  }
0x13: {  	s23 =	simm.s32 $0x1BFF;
	s22 =	sshll.u32 s5, $0x1;
	s1 =	sadd.s32 s20, s19  }
0x14: {  	s6 =	simm.s32 $0x0;
	s21 =	sshll.u32 s4, $0x1;
	s4 =	sadd.s32 s22, s1  }
0x15: {  	[timem:s6], [sflag:s23] =	dma.local [hbm:s4], s21  }
0x16: {  	_ =	swait.ge [sflag:s23], s21  }
0x17: {  	s2 =	ssub.s32 $0x0, s21;
	[sflag:s23] =	ssyncset.done $0x0  }
0x18: {  	[sflag:s23] =	ssyncadd.s32 s2;
	_ =	sdelay $0x1  }
0x19: {  	s24 =	simm.s32 $0x1B8B  }
0x1a: {  	_ =	swait.ge [sflag:s24], $0x1  }
0x1b: {  	[sflag:s24] =	ssyncset.done $0x0  }
0x1c: {  	s26 =	simm.s32 $0x1B8E;
	s25 =	sld [smem:$0x3FFE];
	[sflag:s24] =	ssyncadd.s32 $0xFFFFFFFF  }
0x1d: {  	s27 =	simm.s32 $execute0_lowered;
	[smem:$0x3FD2] =	sst s26  }
0x1e: {  	s4 =	sshll.u32 s27, $0x1;
	_ =	strace $0x80000046;
	[dreg:$0x1] =	wrdreg $0xFFFFFFFF  }
0x1f: {  	s28 =	simm.s32 $_size_execute0_lowered;
	s1 =	sadd.s32 s1, s4;
	[dreg:$0x0] =	wrdreg $0x0  }
0x20: {  	s4 =	sshll.u32 s28, $0x1;
	[dreg:$0x2] =	wrdreg s1  }
0x21: {  	[dreg:$0x3] =	wrdreg s4  }
0x22: {  	[dreg:$0x4] =	wrdreg $0xC0  }
0x23: {  	_ =	task [dreg:s6], $0x5FFFF  }
0x24: {  	[dreg:$0x1] =	wrdreg $0xFFFFFFFF  }
0x25: {  	[dreg:$0x0] =	wrdreg $0x60  }
0x26: {  	[dreg:$0x2] =	wrdreg s25  }
0x27: {  	[dreg:$0x3] =	wrdreg $0x9  }
0x28: {  	_ =	task.clear_ibuf [dreg:s6], $0x4FFFF;
	_ =	strace $0x90000046  }
0x29: {  	s29 =	simm.s32 $0x9;
	_ =	strace $0x80000048  }
0x2a: {  	_ =	swait.ge [sflag:s29], $0x1  }
0x2b: {  	[sflag:s29] =	ssyncadd.s32 $0xFFFFFFFF  }
0x2c: {  	_ =	strace $0x90000048  }
0x2d: {  	_ =	sfence  }
0x2e: {  	s30 =	sld [smem:$0x0];
	_ =	sdelay $0x2  }
0x2f: {  	s31 =	sshll.u32 s3, $0xD;
	s3 =	sshrl.u32 s3, $0x2  }
0x30: {  	s2 =	sand.u32 $0x4000, s31;
	s1 =	sadd.s32 s3, s30  }
0x31: {  	s0 =	sor.u32 s2, s0;
	s1 =	sshll.u32 s1, $0x11  }
0x32: {  	s0 =	sor.u32 s1, s0  }
0x33: {  	s0 =	sadd.s32 $0x8F2B, s0  }
0x34: {  	[sflag:s0] =	ssyncadd.remote.s32 $0x1  }
0x35: {  	_ =	sfence.sel $0xFFFF  }
0x36: {  	[dreg:$0x0] =	wrdreg $0xFFFFFFFF;
	(pc) =	sbr.abs _section_cstart, $3  }
0x37: {  	[dreg:$0x1] =	wrdreg $0xFFFFFFFF  }
0x38: {  	_ =	task.clear_ibuf [dreg:s6], $0x2FFFF;
	_ =	strace $0x9FFFFFFF  }
0x39: {  	(tm) =	ssettm $0x7FFFFFFF  }
tec
execute0_lowered:
.L_overlay_start_1:
0x0: {  	(tag) =	ssettag $0x1  }
0x1: {  	s0 =	srdreg.scid;
	s1 =	stileid.u32  }
0x2: {  	s7 =	rddreg [dreg:$0x0];
	_ =	strace $0x80000047;
	s0 =	sshll.u32 s0, $0x4  }
0x3: {  	s31 =	simm.s32 $0x2;
	s17 =	simm.s32 $0x0;
	s0 =	sand.u32 $0x10, s0  }
0x4: {  	p0 =	por $0x0, $0x0;
	s2 =	sand.u32 $0x1, s1;
	s0 =	sor.u32 s1, s0  }
0x5: {  	s10 =	simm.s32 $0x310000;
	s28 =	ssub.s32 $0x2, s2;
	s3 =	sshrl.u32 s0, $0x1  }
0x6: {  	s29 =	sshrl.u32 s28, $0x1;
	s0 =	sand.u32 $0x1, s28;
	s4 =	ssub.s32 $0x47, s3  }
0x7: {  	s18 =	simm.s32 $0x0;
	s0 =	sadd.s32 s0, s29;
	s30 =	sshrl.u32 s4, $0x4  }
0x8: {  	s19 =	simm.s32 $0x0;
	s20 =	simm.s32 $0x0;
	s0 =	smul.u32 s30, s0  }
.Ltmp0:
0x9: {  	s21 =	simm.s32 $0x0;
	s11 =	simm.s32 $0x0;
	(pc) =	sbr.rel .LBB1_1-.Ltmp0, $4  }
0xa: {  	s13 =	simm.s32 $0x0;
	s14 =	simm.s32 $0x0;
	s16 =	simm.s32 $0x0  }
0xb: {  	s6 =	sadd.s32 $0xCBE00, s7;
	s4 =	simm.s32 $0x1;
	s5 =	smul.u32 $0x7, s0  }
0xc: {  	s7 =	sadd.s32 $0x253E00, s7;
	s15 =	smov.u32 s2;
	[sflag:s4] =	ssyncpa.u1 $0x0  }
0xd: {  	s12 =	smov.u32 s3;
	[sflag:s31] =	ssyncpa.u1 $0x0;
	s8 =	sadd.s32 $0x1, s5  }
.LBB1_9:
0xe: {  	s0 =	sadd.s32 $0x8, s11  }
0xf: {  	s1 =	sadd.s32 $0x10, s12;
	s9 =	smov.u32 s12;
	p2 =	sgt.s32 s0, $0x37  }
0x10: {  	s9 =	smov.u32 @p2 s1  }
0x11: {  	s22 =	smov.u32 s13;
	s1 =	sadd.s32 $0x4, s13;
	p3 =	sgt.s32 s9, $0x37  }
0x12: {  	s22 =	smov.u32 @p3 s1  }
0x13: {  	s23 =	smov.u32 s14;
	s1 =	sadd.s32 $0x2, s14;
	p4 =	sgt.s32 s22, $0x3  }
0x14: {  	p1 =	slt.u32 s16, $0x2;
	s24 =	smov.u32 s15;
	s23 =	smov.u32 @p4 s1  }
0x15: {  	s17 =	smov.u32 s11;
	s1 =	sadd.s32 $0x2, s15;
	p5 =	sgt.s32 s23, $0x1  }
0x16: {  	s18 =	smov.u32 s12;
	s19 =	smov.u32 s13;
	s24 =	smov.u32 @p5 s1  }
0x17: {  	s20 =	smov.u32 s14;
	s0 =	simm.s32 @p2 $0x0;
	p2 =	sgt.s32 s24, $0x1  }
0x18: {  	s21 =	smov.u32 s15;
	s24 =	smov.u32 @p2 s2;
	p2 =	sne.s32 s16, s8  }
.Ltmp1:
0x19: {  	p0 =	por !p0, !p0;
	s9 =	smov.u32 @p3 s3;
	(pc) =	sbr.rel @!p2 .LBB1_10-.Ltmp1, $4  }
0x1a: {  	s11 =	smov.u32 s0;
	s12 =	smov.u32 s9;
	s1 =	simm.s32 @!p1 $0x2  }
0x1b: {  	s22 =	simm.s32 @p4 $0x0;
	s23 =	simm.s32 @p5 $0x0;
	_ =	swait.ge @!p1 [sflag:s1], $0x4000  }
0x1c: {  	s13 =	smov.u32 s22;
	s14 =	smov.u32 s23;
	[sflag:s1] =	ssyncset.done @!p1 $0x0  }
0x1d: {  	s16 =	sadd.s32 $0x1, s16;
	[sflag:s1] =	ssyncadd.s32 @!p1 $0xFFFFC000;
	s15 =	smov.u32 s24  }
.LBB1_1:
0x1e: {  	p1 =	sge.u32 s16, s5  }
0x1f: {  	s0 =	sshll.u32 @!p1 s11, $0x8;
	s1 =	sshll.u32 @!p1 s11, $0x7  }
0x20: {  	s9 =	smul.u32 @!p1 $0xC4000, s15;
	s0 =	sand.u32 @!p1 $0xFFFFF800, s0;
	s1 =	sand.u32 @!p1 $0x300, s1  }
0x21: {  	s22 =	smul.u32 @!p1 $0x62000, s14;
	s0 =	sor.u32 @!p1 s1, s0  }
0x22: {  	s23 =	smul.u32 @!p1 $0x18800, s13;
	s0 =	sshrl.u32 @!p1 s0, $0x8  }
0x23: {  	s1 =	smulhi.u32 @!p1 $0x4924925, s0  }
0x24: {  	s31 =	sadd.s32 $0xFFFFFFFF, s16;
	s25 =	smul.u32 @!p1 $0x700, s12;
	s9 =	sadd.s32 @!p1 s6, s9  }
0x25: {  	s24 =	sxor.u32 @!p1 $0xFFFFFFFF, s16;
	s9 =	sadd.s32 @!p1 s22, s9;
	s1 =	smul.u32 @!p1 $0x38, s1  }
0x26: {  	s22 =	sshll.u32 @!p1 s24, $0xE;
	s24 =	sshll.u32 @!p1 s11, $0x4;
	s9 =	sadd.s32 @!p1 s23, s9  }
0x27: {  	s9 =	sadd.s32 @!p1 s25, s9;
	s0 =	ssub.s32 @!p1 s0, s1;
	s1 =	sand.u32 @!p1 $0x10, s24  }
0x28: {  	s22 =	sand.u32 @!p1 $0x4000, s22;
	s0 =	sshll.u32 @!p1 s0, $0x5;
	s1 =	sadd.s32 @!p1 s1, s9  }
0x29: {  	s9 =	simm.s32 @!p1 $0xC4000;
	s0 =	sadd.s32 @!p1 s0, s1;
	s1 =	simm.s32 @!p1 $0x800  }
0x2a: {  	[tilespmem:s22], [sflag:$0x1] =	stream.strided.gather @!p1 [hbm4b:s0+s1], $0x4000, s9, s1, $0x38;
	[tilespmem:$0x10000] =	vst v63  }
0x2b: {  	p1 =	sge.u32 s31, s5  }
.Ltmp2:
0x2c: {  	_ = 	snop;
	(pc) =	sbr.rel @p1 .LBB1_9-.Ltmp2, $1  }
0x2d: {  	_ =	sdelay $0x3  }
0x2e: {  	s0 =	simm.s32 $0x1;
	_ =	swait.ge [sflag:s4], $0x4000  }
0x2f: {  	s1 =	sshll.u32 s16, $0xE;
	p2 =	por $0x1, $0x1;
	s0 =	simm.s32 @!p0 $0x0  }
0x30: {  	[sflag:s4] =	ssyncset.done $0x0;
	s23 =	sand.u32 $0x4000, s1;
	s0 =	sshll.u32 s0, $0x10  }
0x31: {  	[sflag:s4] =	ssyncadd.s32 $0xFFFFC000;
	s22 =	sor.u32 $0x8000, s23;
	s0 =	sshrl.u32 s0, $0x2  }
0x32: {  	s24 =	sadd.s32 $0x8100, s0;
	s25 =	sadd.s32 $0x410, s0;
	s0 =	simm.s32 $0x0  }
.LBB1_3:
0x33: {  	s26 =	sshll.u32 s0, $0xD;
	s31 =	sshll.u32 s0, $0x7  }
0x34: {  	p1 =	por p2, p2;
	s0 =	sand.u32 $0x3FFFFF80, s31;
	s1 =	sand.u32 $0x3FFFE000, s26  }
0x35: {  	s29 =	simm.s32 $0x0;
	s27 =	sadd.s32 s0, s24;
	s28 =	sadd.s32 s1, s25  }
.LBB1_4:
0x36: {  	s0 =	sshll.u32 s29, $0xB;
	v2 =	vld [tilespmem:s28+$0xFFFFFBF0]  }
0x37: {  	v3 =	vld [tilespmem:s28+$0xFFFFFC00];
	s0 =	sadd.s32 s26, s0  }
0x38: {  	v4 =	vld [tilespmem:s28+$0xFFFFFC10];
	v0 =	vmov s0  }
0x39: {  	s9 =	simm.s32 $0x0;
	v5 =	vld [tilespmem:s28+$0xFFFFFC20]  }
0x3a: {  	v7 =	vld [tilespmem:s28+$0xFFFFFC30];
	s1 =	sand.u32 $0x300, s9  }
0x3b: {  	v8 =	vld [tilespmem:s28+$0xFFFFFC40];
	s0 =	sand.u32 $0x80, s9;
	s1 =	sadd.s32 s1, s23  }
0x3c: {  	v9 =	vld [tilespmem:s28+$0xFFFFFC50];
	s0 =	sadd.s32 s0, s1;
	[tilespmem:s27+$0xFFFFFF00] =	vst v2  }
0x3d: {  	[tilespmem:s27+$0xFFFFFF10] =	vst v3;
	v1 =	vld.idx.msk [tilespmem:v0+s0+$0x400 ss:$0x1], $0xffff  }
0x3e: {  	v6 =	vld [tilespmem:s28+$0xFFFFFC60];
	[tilespmem:s27+$0xFFFFFF20] =	vst v4  }
0x3f: {  	v4 =	vld [tilespmem:s28+$0x0];
	[tilespmem:s27+$0xFFFFFF30] =	vst v5  }
0x40: {  	v3 =	vld [tilespmem:s28+$0x10];
	[tilespmem:s27+$0xFFFFFF40] =	vst v7  }
0x41: {  	[tilespmem:s27+$0xFFFFFF50] =	vst v8;
	v2 =	vld [tilespmem:s28+$0x30]  }
0x42: {  	s30 =	smov.u32 s27;
	s0 =	simm.s32 $0x80;
	[tilespmem:s27+$0x0] =	vst v1;
	v1 =	vld [tilespmem:s28+$0x20]  }
0x43: {  	s31 =	smov.u32 s28;
	s1 =	simm.s32 $0x100;
	[tilespmem:s27+$0xFFFFFF60] =	vst v9;
	v5 =	vld [tilespmem:s28+$0x40];
	s9 =	sand.u32 $0x300, s0  }
.LBB1_5:
0x44: {  	p2 =	sne.s32 s1, $0x380;
	s0 =	sand.u32 $0x80, s0;
	s9 =	sadd.s32 s9, s23;
	[tilespmem:s30+$0xFFFFFF70] =	vst v6;
	v6 =	vld [tilespmem:s31+$0x50]  }
0x45: {  	s9 =	sadd.s32 s0, s9;
	[tilespmem:s30+$0x10] =	vst v4;
	v4 =	vld [tilespmem:s31+$0x60];
	s0 =	smov.u32 s1  }
0x46: {  	s31 =	sadd.s32 $0x80, s31;
	v7 =	vld.idx.msk [tilespmem:v0+s9+$0x400 ss:$0x1], $0xffff;
	[tilespmem:s30+$0x20] =	vst v3  }
0x47: {  	v3 =	vld [tilespmem:s31+$0xFFFFFBF0];
	[tilespmem:s30+$0x30] =	vst v1  }
0x48: {  	v1 =	vld [tilespmem:s31+$0xFFFFFC00];
	[tilespmem:s30+$0x40] =	vst v2  }
0x49: {  	v2 =	vld [tilespmem:s31+$0xFFFFFC10];
	[tilespmem:s30+$0x50] =	vst v5  }
0x4a: {  	v5 =	vld [tilespmem:s31+$0xFFFFFC20];
	[tilespmem:s30+$0x60] =	vst v6  }
0x4b: {  	v8 =	vld [tilespmem:s31+$0xFFFFFC30];
	[tilespmem:s30+$0x70] =	vst v4;
	s30 =	sadd.s32 $0x200, s30  }
0x4c: {  	v9 =	vld [tilespmem:s31+$0xFFFFFC40];
	[tilespmem:s30+$0x0] =	vst v7  }
0x4d: {  	[tilespmem:s30+$0xFFFFFF00] =	vst v3;
	v7 =	vld [tilespmem:s31+$0xFFFFFC50]  }
0x4e: {  	[tilespmem:s30+$0xFFFFFF10] =	vst v1;
	v6 =	vld [tilespmem:s31+$0xFFFFFC60]  }
.Ltmp3:
0x4f: {  	[tilespmem:s30+$0xFFFFFF20] =	vst v2;
	v4 =	vld [tilespmem:s31+$0x0];
	(pc) =	sbr.rel @p2 .LBB1_5-.Ltmp3, $4  }
0x50: {  	[tilespmem:s30+$0xFFFFFF30] =	vst v5;
	v3 =	vld [tilespmem:s31+$0x10]  }
0x51: {  	[tilespmem:s30+$0xFFFFFF40] =	vst v8;
	v1 =	vld [tilespmem:s31+$0x20]  }
0x52: {  	[tilespmem:s30+$0xFFFFFF50] =	vst v9;
	v2 =	vld [tilespmem:s31+$0x30]  }
0x53: {  	s1 =	sadd.s32 $0x80, s1;
	s9 =	sand.u32 $0x300, s0;
	[tilespmem:s30+$0xFFFFFF60] =	vst v7;
	v5 =	vld [tilespmem:s31+$0x40]  }
0x54: {  	[tilespmem:s30+$0xFFFFFF70] =	vst v6  }
0x55: {  	v47 =	vld [tilespmem:s31+$0x50];
	[tilespmem:s30+$0x10] =	vst v4  }
0x56: {  	s1 =	sadd.s32 s9, s23;
	v48 =	vld [tilespmem:s31+$0x60];
	s9 =	sadd.s32 $0x80, s31;
	[tilespmem:s30+$0x20] =	vst v3  }
0x57: {  	v49 =	vld [tilespmem:s9+$0xFFFFFBF0];
	[tilespmem:s30+$0x30] =	vst v1  }
0x58: {  	v50 =	vld [tilespmem:s9+$0xFFFFFC00];
	[tilespmem:s30+$0x40] =	vst v2  }
0x59: {  	v51 =	vld [tilespmem:s9+$0xFFFFFC10];
	[tilespmem:s30+$0x50] =	vst v5  }
0x5a: {  	v52 =	vld [tilespmem:s9+$0xFFFFFC20];
	[tilespmem:s30+$0x60] =	vst v47  }
0x5b: {  	s31 =	sadd.s32 $0x200, s30;
	v53 =	vld [tilespmem:s9+$0xFFFFFC30];
	[tilespmem:s30+$0x70] =	vst v48  }
0x5c: {  	v54 =	vld [tilespmem:s9+$0xFFFFFC40];
	[tilespmem:s31+$0xFFFFFF00] =	vst v49  }
0x5d: {  	v55 =	vld [tilespmem:s9+$0xFFFFFC50];
	[tilespmem:s31+$0xFFFFFF10] =	vst v50  }
0x5e: {  	v56 =	vld [tilespmem:s9+$0xFFFFFC60];
	[tilespmem:s31+$0xFFFFFF20] =	vst v51  }
0x5f: {  	v57 =	vld [tilespmem:s9+$0x0];
	[tilespmem:s31+$0xFFFFFF30] =	vst v52  }
0x60: {  	v58 =	vld [tilespmem:s9+$0x10];
	[tilespmem:s31+$0xFFFFFF40] =	vst v53  }
0x61: {  	v59 =	vld [tilespmem:s9+$0x20];
	[tilespmem:s31+$0xFFFFFF50] =	vst v54  }
0x62: {  	v60 =	vld [tilespmem:s9+$0x30];
	[tilespmem:s31+$0xFFFFFF60] =	vst v55  }
0x63: {  	v61 =	vld [tilespmem:s9+$0x40];
	[tilespmem:s31+$0xFFFFFF70] =	vst v56  }
0x64: {  	s0 =	sand.u32 $0x80, s0;
	v62 =	vld [tilespmem:s9+$0x50];
	[tilespmem:s31+$0x10] =	vst v57  }
0x65: {  	s29 =	sadd.s32 $0x1, s29;
	s0 =	sadd.s32 s0, s1;
	v63 =	vld [tilespmem:s9+$0x60];
	[tilespmem:s31+$0x20] =	vst v58  }
0x66: {  	p2 =	sne.s32 s29, $0x4;
	v0 =	vld.idx.msk [tilespmem:v0+s0+$0x400 ss:$0x1], $0xffff;
	[tilespmem:s31+$0x30] =	vst v59  }
.Ltmp4:
0x67: {  	[tilespmem:s31+$0x40] =	vst v60;
	(pc) =	sbr.rel @p2 .LBB1_4-.Ltmp4, $4  }
0x68: {  	[tilespmem:s31+$0x50] =	vst v61  }
0x69: {  	[tilespmem:s31+$0x60] =	vst v62  }
0x6a: {  	[tilespmem:s31+$0x70] =	vst v63  }
0x6b: {  	s27 =	sadd.s32 $0x1000, s27;
	s28 =	sadd.s32 $0x800, s28;
	[tilespmem:s31+$0x0] =	vst v0  }
.Ltmp5:
0x6c: {  	(pc) =	sbr.rel @p1 .LBB1_3-.Ltmp5, $2  }
0x6d: {  	_ =	sdelay $0x2  }
0x6e: {  	s0 =	simm.s32 $0x1;
	p2 =	por $0x0, $0x0  }
0x6f: {  	s0 =	smul.u32 $0xE00, s21  }
0x70: {  	s1 =	smul.u32 $0x62000, s19  }
0x71: {  	s9 =	sshll.u32 s20, $0x4;
	s18 =	smul.u32 $0x1C00, s18;
	s0 =	sadd.s32 s7, s0  }
.Ltmp6:
0x72: {  	s9 =	sand.u32 $0x10, s9;
	s0 =	sadd.s32 s1, s0;
	(pc) =	sbr.rel .LBB1_9-.Ltmp6, $4  }
0x73: {  	s0 =	sadd.s32 s9, s0  }
0x74: {  	s30 =	sshll.u32 s17, $0x6;
	s0 =	sadd.s32 s18, s0  }
0x75: {  	s31 =	simm.s32 $0x1000;
	s0 =	sadd.s32 s30, s0  }
0x76: {  	[hbm4b:s0+s31] =	stream.strided.scatter [tilespmem:s22], [sflag:$0x2], $0x4000, s10, s31, $0x38;
	[tilespmem:$0x10000] =	vst v63  }
.LBB1_10:
0x77: {  	_ =	sfence.sel $0x180000  }
0x78: {  	s0 =	simm.s32 $0x1;
	[bflag:$0x0] =	sbarrier.arrive $0xFFFF  }
0x79: {  	s30 =	simm.s32 $0x2;
	[sflag:s0] =	ssyncpa.u1 $0x1  }
0x7a: {  	[sflag:s30] =	ssyncpa.u1 $0x1  }
0x7b: {  	_ =	strace $0x90000047  }
0x7c: {  	s31 =	stileid.u32;
	[bflag:$0x2] =	sbarrier.arrive $0xFFFF  }
0x7d: {  	p0 =	sne.s32 s31, $0x0;
	s0 =	rddreg [dreg:$0x1]  }
0x7e: {  	s0 =	sadd.s32 @!p0 $0x100000, s0  }
0x7f: {  	[sflag:s0] =	ssyncadd.tile.s32 @!p0 $0x1;
	_ =	shalt  }
.Lfunc_end1:
_tile_overlayer_lowered:
.L_overlay_start_2:
0x80: {  	(tag) =	ssettag $0x2  }
0x81: {  	s0 =	rddreg [dreg:$0x0];
	s2 =	stileid.u32  }
0x82: {  	s1 =	rddreg [dreg:$0x1];
	p0 =	sne.s32 s2, $0x0  }
0x83: {  	s3 =	rddreg [dreg:$0x2];
	[bflag:$0x3] =	sbarrier.arrive $0xFFFF;
	s2 =	simm.s32 @!p0 $0x1C01  }
0x84: {  	[timem:s3], [sflag:s2] =	dma.local @!p0 [hbm:s0], s1  }
0x85: {  	s0 =	simm.s32 @!p0 $0x1  }
0x86: {  	_ =	swait.ge @!p0 [sflag:s0], s1  }
0x87: {  	s1 =	ssub.s32 @!p0 $0x0, s1;
	[sflag:s0] =	ssyncset.done @!p0 $0x0  }
0x88: {  	[sflag:s0] =	ssyncadd.s32 @!p0 s1  }
0x89: {  	[bflag:$0x3] =	sbarrier.arrive $0xFFFF  }
0x8a: {  	_ =	shalt  }

</sc_bundles>
